<compile_context>
chip_gen: v7x
topology: tpu7x:2x2x1
jax: 0.10.2.dev20260603
libtpu: 0.0.44.dev20260713+nightly
codegen_flags: <defaults>
</compile_context>

<pallas_src>
import functools

import jax
import jax.numpy as jnp
from jax import lax
from jax.experimental import pallas as pl
from jax.experimental.pallas import tpu as pltpu
from jax.experimental.pallas import tpu_sc as plsc

_NC = 2
_NS = 16
_L = 16
_CHUNK = 128


def _sc_segment_sum(x_rows, src3, dst3, zeros_h, n_pad, e_pad, h):
  n_chunks = e_pad // (_NS * _CHUNK)
  r_per_tile = n_pad // _NS
  d_per_tile = n_pad // _NS

  mesh = plsc.VectorSubcoreMesh(core_axis_name="c", subcore_axis_name="s")

  @functools.partial(
      pl.kernel,
      out_type=jax.ShapeDtypeStruct((n_pad, _NC * h), jnp.float32),
      mesh=mesh,
      scratch_types=[
          pltpu.VMEM_SHARED((n_pad, h), jnp.float32),
          pltpu.VMEM((_CHUNK,), jnp.int32),
          pltpu.VMEM((_CHUNK,), jnp.int32),
          pltpu.VMEM((_CHUNK,), jnp.int32),
          pltpu.VMEM((_CHUNK,), jnp.int32),
          pltpu.VMEM((_CHUNK, h), jnp.float32),
          pltpu.VMEM((_CHUNK, h), jnp.float32),
          pltpu.SemaphoreType.DMA,
          pltpu.SemaphoreType.DMA,
          pltpu.SemaphoreType.DMA,
          pltpu.SemaphoreType.DMA,
      ],
  )
  def sc_kernel(x_hbm, src3_hbm, dst3_hbm, zh_hbm, agg_out,
                agg_sh, sbuf0_v, sbuf1_v, dbuf0_v, dbuf1_v,
                rows0_v, rows1_v, gsem0, gsem1, ssem0, ssem1):
    cc = lax.axis_index("c")
    ss = lax.axis_index("s")
    srow0 = (cc * _NS + ss) * n_chunks
    drow_base = ss * n_chunks

    row0 = ss * r_per_tile
    pltpu.sync_copy(zh_hbm.at[pl.ds(row0, r_per_tile)],
                    agg_sh.at[pl.ds(row0, r_per_tile)])
    plsc.subcore_barrier()

    def gather(i, sbuf, dbuf, rows, sem):
      pltpu.sync_copy(src3_hbm.at[srow0 + i], sbuf)
      pltpu.sync_copy(dst3_hbm.at[drow_base + i], dbuf)
      pltpu.async_copy(x_hbm.at[sbuf], rows, sem)

    def scatter(sbuf, dbuf, rows, gsem, ssem):
      pltpu.make_async_copy(x_hbm.at[sbuf], rows, gsem).wait()
      pltpu.async_copy(rows, agg_sh.at[dbuf], ssem, add=True)

    def drain(dbuf, rows, ssem):
      pltpu.make_async_copy(rows, agg_sh.at[dbuf], ssem).wait()

    gather(0, sbuf0_v, dbuf0_v, rows0_v, gsem0)
    gather(1, sbuf1_v, dbuf1_v, rows1_v, gsem1)

    def body(gp, carry):
      i0 = 2 * gp
      scatter(sbuf0_v, dbuf0_v, rows0_v, gsem0, ssem0)
      scatter(sbuf1_v, dbuf1_v, rows1_v, gsem1, ssem1)
      drain(dbuf0_v, rows0_v, ssem0)
      gather(i0 + 2, sbuf0_v, dbuf0_v, rows0_v, gsem0)
      drain(dbuf1_v, rows1_v, ssem1)
      gather(i0 + 3, sbuf1_v, dbuf1_v, rows1_v, gsem1)
      return carry

    lax.fori_loop(0, n_chunks // 2 - 1, body, 0)
    scatter(sbuf0_v, dbuf0_v, rows0_v, gsem0, ssem0)
    scatter(sbuf1_v, dbuf1_v, rows1_v, gsem1, ssem1)
    drain(dbuf0_v, rows0_v, ssem0)
    drain(dbuf1_v, rows1_v, ssem1)
    plsc.subcore_barrier()

    pltpu.sync_copy(agg_sh.at[pl.ds(row0, r_per_tile)],
                    agg_out.at[pl.ds(row0, r_per_tile), pl.ds(cc * h, h)])

  return sc_kernel(x_rows, src3, dst3, zeros_h)


def _sc_degree(dst3, ones_hbm, zeros_hbm, n_pad, e_pad):
  n_chunks = e_pad // (_NS * _CHUNK)
  half = n_chunks // 2
  d_per_tile = 640
  n_big = d_per_tile * _NS

  mesh = plsc.VectorSubcoreMesh(core_axis_name="c", subcore_axis_name="s")

  @functools.partial(
      pl.kernel,
      out_type=jax.ShapeDtypeStruct((_NC * n_big, 128), jnp.float32),
      mesh=mesh,
      scratch_types=[
          pltpu.VMEM_SHARED((n_big, 128), jnp.float32),
          pltpu.VMEM((_CHUNK,), jnp.int32),
          pltpu.VMEM((_CHUNK,), jnp.int32),
          pltpu.VMEM((_CHUNK, 128), jnp.float32),
          pltpu.SemaphoreType.DMA,
          pltpu.SemaphoreType.DMA,
      ],
  )
  def deg_kernel(dst3_hbm, ones_h, zeros_h, deg_out, deg_sh,
                 dbuf0_v, dbuf1_v, ones_v, dsem0, dsem1):
    cc = lax.axis_index("c")
    ss = lax.axis_index("s")
    drow_base = ss * n_chunks + cc * half
    drow0 = ss * d_per_tile

    pltpu.sync_copy(ones_h, ones_v)
    pltpu.sync_copy(zeros_h.at[pl.ds(drow0, d_per_tile)],
                    deg_sh.at[pl.ds(drow0, d_per_tile)])
    plsc.subcore_barrier()

    def count(i, dbuf, sem):
      pltpu.sync_copy(dst3_hbm.at[drow_base + i], dbuf)
      pltpu.async_copy(ones_v, deg_sh.at[dbuf], sem, add=True)

    def wait(dbuf, sem):
      pltpu.make_async_copy(ones_v, deg_sh.at[dbuf], sem).wait()

    count(0, dbuf0_v, dsem0)
    count(1, dbuf1_v, dsem1)

    def body(gp, carry):
      i0 = 2 * gp
      wait(dbuf0_v, dsem0)
      count(i0 + 2, dbuf0_v, dsem0)
      wait(dbuf1_v, dsem1)
      count(i0 + 3, dbuf1_v, dsem1)
      return carry

    lax.fori_loop(0, half // 2 - 1, body, 0)
    wait(dbuf0_v, dsem0)
    wait(dbuf1_v, dsem1)
    plsc.subcore_barrier()

    pltpu.sync_copy(deg_sh.at[pl.ds(drow0, d_per_tile)],
                    deg_out.at[pl.ds(cc * n_big + drow0, d_per_tile)])

  return deg_kernel(dst3, ones_hbm, zeros_hbm)


def _tc_epilogue(agg, x, deg0, deg1, wl_t, wr_t, b_l, gamma, beta,
                 block_n):
  n, d = x.shape
  grid = (n // block_n,)

  def body(ag, xr, dg0, dg1, wl, wr, bl, gm, bt, out):
    degc = jnp.maximum(dg0[...] + dg1[...], 1.0)
    agg = ag[...] / degc
    h = (jnp.dot(agg, wl[...], preferred_element_type=jnp.float32)
         + bl[...]
         + jnp.dot(xr[...], wr[...], preferred_element_type=jnp.float32))
    nrm = jnp.sqrt(jnp.sum(h * h, axis=1, keepdims=True))
    h = h / jnp.maximum(nrm, 1e-12) + xr[...]
    mu = jnp.mean(h, axis=1, keepdims=True)
    var = jnp.mean((h - mu) * (h - mu), axis=1, keepdims=True)
    h = (h - mu) * lax.rsqrt(var + 1e-5) * gm[...] + bt[...]
    out[...] = 0.5 * h * (1.0 + lax.erf(h * 0.7071067811865476))

  return pl.pallas_call(
      body,
      grid=grid,
      in_specs=[
          pl.BlockSpec((block_n, d), lambda i: (i, 0)),
          pl.BlockSpec((block_n, d), lambda i: (i, 0)),
          pl.BlockSpec((block_n, 1), lambda i: (i, 0)),
          pl.BlockSpec((block_n, 1), lambda i: (i, 0)),
          pl.BlockSpec((d, d), lambda i: (0, 0)),
          pl.BlockSpec((d, d), lambda i: (0, 0)),
          pl.BlockSpec((1, d), lambda i: (0, 0)),
          pl.BlockSpec((1, d), lambda i: (0, 0)),
          pl.BlockSpec((1, d), lambda i: (0, 0)),
      ],
      out_specs=pl.BlockSpec((block_n, d), lambda i: (i, 0)),
      out_shape=jax.ShapeDtypeStruct((n, d), jnp.float32),
  )(agg, x, deg0, deg1, wl_t, wr_t, b_l, gamma, beta)


def kernel(x, edge_index, W_l, b_l, W_r, gamma, beta):
  n, d = x.shape
  e = edge_index.shape[1]
  h = d // 2

  n_pad = ((n + 1 + _NS * 8 - 1) // (_NS * 8)) * (_NS * 8)
  step_e = _NS * _CHUNK * 2
  e_pad = ((e + step_e - 1) // step_e) * step_e
  n_chunks = e_pad // (_NS * _CHUNK)

  src = edge_index[0]
  dst = edge_index[1]
  pad_e = e_pad - e
  pad_idx = jnp.arange(pad_e, dtype=jnp.int32)
  src_p = jnp.concatenate([src, pad_idx % n])
  dst_p = jnp.concatenate([dst, n + pad_idx % (n_pad - n)])
  src_p2 = src_p * 2
  src2 = jnp.concatenate([src_p2, src_p2 + 1])
  src3 = src2.reshape(_NC * _NS * n_chunks, _CHUNK)
  dst3 = dst_p.reshape(_NS * n_chunks, _CHUNK)

  x_rows = x.reshape(2 * n, h)

  zeros_h = jnp.zeros((n_pad, h), jnp.float32)
  zeros_c = jnp.zeros((640 * _NS, 128), jnp.float32)
  ones_c = jnp.ones((_CHUNK, 128), jnp.float32)

  agg = _sc_segment_sum(x_rows, src3, dst3, zeros_h, n_pad, e_pad, h)
  dst3b, agg = jax.lax.optimization_barrier((dst3, agg))
  degp = _sc_degree(dst3b, ones_c, zeros_c, n_pad, e_pad)

  n_big = 640 * _NS
  deg0 = degp[:n, :1]
  deg1 = degp[n_big:n_big + n, :1]

  return _tc_epilogue(agg, x, deg0, deg1, W_l.T, W_r.T,
                      b_l.reshape(1, d), gamma.reshape(1, d),
                      beta.reshape(1, d), block_n=400)

# --- scband reference (transcript-rebuilt; emitter-appended) ---
"""Pipeline reference for scband-sageconv-26053271617572 (READ-ONLY COPY).

The authoritative reference and input builder live on the scoring server;
editing this copy changes nothing except your own understanding.
"""

import jax, jax.numpy as jnp
import numpy as np

N = 10000
E = 160000
D = 256

def setup_inputs(seed: int = 0) -> dict:
    key = jax.random.key(seed)
    ks = jax.random.split(key, 8)
    x = jax.random.normal(ks[0], (N, D), dtype=jnp.float32)
    edge_index = jax.random.randint(ks[1], (2, E), 0, N, dtype=jnp.int32)
    scale = 1.0 / np.sqrt(D)
    # PyG SAGEConv params: lin_l (neighbor aggregation, with bias), lin_r (root, no bias)
    W_l = jax.random.uniform(ks[2], (D, D), dtype=jnp.float32, minval=-scale, maxval=scale)
    b_l = jnp.zeros((D,), dtype=jnp.float32)
    W_r = jax.random.uniform(ks[3], (D, D), dtype=jnp.float32, minval=-scale, maxval=scale)
    # LayerNorm params
    gamma = jnp.ones((D,), dtype=jnp.float32)
    beta = jnp.zeros((D,), dtype=jnp.float32)
    return {"x": x, "edge_index": edge_index, "W_l": W_l, "b_l": b_l, "W_r": W_r, "gamma": gamma, "beta": beta}

def reference(x, edge_index, W_l, b_l, W_r, gamma, beta):
    src = edge_index[0]
    dst = edge_index[1]
    # mean aggregation of source-node features onto destination nodes
    msgs = jnp.take(x, src, axis=0)
    agg = jax.ops.segment_sum(msgs, dst, num_segments=N)
    deg = jax.ops.segment_sum(jnp.ones((E,), dtype=x.dtype), dst, num_segments=N)
    agg = agg / jnp.maximum(deg, 1.0)[:, None]
    # SAGEConv: lin_l(agg) + lin_r(x), then L2 normalize (normalize=True)
    out = agg @ W_l.T + b_l + x @ W_r.T
    nrm = jnp.sqrt(jnp.sum(out * out, axis=-1, keepdims=True))
    out = out / jnp.maximum(nrm, 1e-12)
    # residual (in_channels == out_channels, so identity residual)
    out = out + x
    # LayerNorm
    mu = jnp.mean(out, axis=-1, keepdims=True)
    var = jnp.var(out, axis=-1, keepdims=True)
    out = (out - mu) / jnp.sqrt(var + 1e-5)
    out = out * gamma + beta
    # exact GELU (torch nn.GELU default)
    out = jax.nn.gelu(out, approximate=False)
    return out

if __name__ == "__main__":
    import jax
    _d = setup_inputs()
    print(jax.jit(kernel)(*tuple(_d.values())))

</pallas_src>

<mosaic_0001>
#map = affine_map<(d0, d1) -> (0, 0)>
module attributes {stable_mosaic.version = 14 : i64} {
  func.func @deg_kernel(%arg0: i32, %arg1: i32, %arg2: memref<1280x128xi32, #tpu.memory_space<hbm>>, %arg3: memref<128x128xf32, #tpu.memory_space<hbm>>, %arg4: memref<10240x128xf32, #tpu.memory_space<hbm>>, %arg5: memref<20480x128xf32, #tpu.memory_space<hbm>>, %arg6: memref<10240x128xf32, #tpu.memory_space<vmem_shared>>, %arg7: memref<128xi32, #tpu.memory_space<vmem>>, %arg8: memref<128xi32, #tpu.memory_space<vmem>>, %arg9: memref<128x128xf32, #tpu.memory_space<vmem>>, %arg10: memref<!tpu.dma_semaphore, #tpu.memory_space<semaphore_mem>>, %arg11: memref<!tpu.dma_semaphore, #tpu.memory_space<semaphore_mem>>) attributes {dimension_semantics = [#tpu.dimension_semantics<core_parallel>, #tpu.dimension_semantics<subcore_parallel>], iteration_bounds = array<i64: 2, 16>, scalar_prefetch = 0 : i64, scratch_operands = 6 : i64, tpu.core_type = #tpu.core_type<sc_vector_subcore>, window_params = [{transform_indices = #map}, {transform_indices = #map}, {transform_indices = #map}, {transform_indices = #map}]} {
    %mul3A = arith.constant 80 : i32
    %mul3A_0 = arith.muli %arg1, %mul3A : i32
    %mul3A_1 = arith.constant 40 : i32
    %mul3A_2 = arith.muli %arg0, %mul3A_1 : i32
    %add3A = arith.addi %mul3A_0, %mul3A_2 : i32
    %mul3A_3 = arith.constant 640 : i32
    %mul3A_4 = arith.muli %arg1, %mul3A_3 : i32
    "tpu.region"() ({
      %run_scoped3A = tpu.sem_alloc : memref<!tpu.dma_semaphore, #tpu.memory_space<semaphore_mem>>
      tpu.enqueue_dma source(%arg3 : memref<128x128xf32, #tpu.memory_space<hbm>>) target(%arg9 : memref<128x128xf32, #tpu.memory_space<vmem>>) target_semaphore(%run_scoped3A : memref<!tpu.dma_semaphore, #tpu.memory_space<semaphore_mem>>)
      tpu.wait_dma2 semaphore(%run_scoped3A : memref<!tpu.dma_semaphore, #tpu.memory_space<semaphore_mem>>) src(%arg3 : memref<128x128xf32, #tpu.memory_space<hbm>>) dst(%arg9 : memref<128x128xf32, #tpu.memory_space<vmem>>)
      tpu.yield
    }) : () -> ()
    "tpu.region"() ({
      %run_scoped3A = tpu.sem_alloc : memref<!tpu.dma_semaphore, #tpu.memory_space<semaphore_mem>>
      %dma_start3A_28 = arith.constant 0 : i32
      %dma_start3A_29 = tpu.memref_slice %arg6[%mul3A_4, %dma_start3A_28] : memref<10240x128xf32, #tpu.memory_space<vmem_shared>> -> memref<640x128xf32, #tpu.memory_space<vmem_shared>>
      %dma_start3A_30 = arith.constant 0 : i32
      %dma_start3A_31 = tpu.memref_slice %arg4[%mul3A_4, %dma_start3A_30] : memref<10240x128xf32, #tpu.memory_space<hbm>> -> memref<640x128xf32, #tpu.memory_space<hbm>>
      tpu.enqueue_dma source(%dma_start3A_31 : memref<640x128xf32, #tpu.memory_space<hbm>>) target(%dma_start3A_29 : memref<640x128xf32, #tpu.memory_space<vmem_shared>>) target_semaphore(%run_scoped3A : memref<!tpu.dma_semaphore, #tpu.memory_space<semaphore_mem>>)
      %dma_wait3A_32 = arith.constant 0 : i32
      %dma_wait3A_33 = tpu.memref_slice %arg6[%mul3A_4, %dma_wait3A_32] : memref<10240x128xf32, #tpu.memory_space<vmem_shared>> -> memref<640x128xf32, #tpu.memory_space<vmem_shared>>
      %dma_wait3A_34 = arith.constant 0 : i32
      %dma_wait3A_35 = tpu.memref_slice %arg4[%mul3A_4, %dma_wait3A_34] : memref<10240x128xf32, #tpu.memory_space<hbm>> -> memref<640x128xf32, #tpu.memory_space<hbm>>
      tpu.wait_dma2 semaphore(%run_scoped3A : memref<!tpu.dma_semaphore, #tpu.memory_space<semaphore_mem>>) src(%dma_wait3A_35 : memref<640x128xf32, #tpu.memory_space<hbm>>) dst(%dma_wait3A_33 : memref<640x128xf32, #tpu.memory_space<vmem_shared>>)
      tpu.yield
    }) : () -> ()
    %barrier3A = arith.constant 0 : index
    tpu.barrier barrier_id(%barrier3A)
    %add3A_5 = arith.constant 0 : i32
    %add3A_6 = arith.addi %add3A, %add3A_5 : i32
    "tpu.region"() ({
      %run_scoped3A = tpu.sem_alloc : memref<!tpu.dma_semaphore, #tpu.memory_space<semaphore_mem>>
      %dma_start3A_28 = arith.constant 0 : i32
      %dma_start3A_29 = tpu.memref_slice %arg2[%add3A_6, %dma_start3A_28] : memref<1280x128xi32, #tpu.memory_space<hbm>> -> memref<1x128xi32, #tpu.memory_space<hbm>>
      %dma_start3A_30 = tpu.memref_squeeze %dma_start3A_29 : memref<1x128xi32, #tpu.memory_space<hbm>> -> memref<128xi32, #tpu.memory_space<hbm>>
      %dma_start3A_31 = arith.constant 0 : i32
      %dma_start3A_32 = tpu.memref_slice %arg2[%add3A_6, %dma_start3A_31] : memref<1280x128xi32, #tpu.memory_space<hbm>> -> memref<1x128xi32, #tpu.memory_space<hbm>>
      %dma_start3A_33 = tpu.memref_squeeze %dma_start3A_32 : memref<1x128xi32, #tpu.memory_space<hbm>> -> memref<128xi32, #tpu.memory_space<hbm>>
      tpu.enqueue_dma source(%dma_start3A_33 : memref<128xi32, #tpu.memory_space<hbm>>) target(%arg7 : memref<128xi32, #tpu.memory_space<vmem>>) target_semaphore(%run_scoped3A : memref<!tpu.dma_semaphore, #tpu.memory_space<semaphore_mem>>)
      %dma_wait3A_34 = arith.constant 0 : i32
      %dma_wait3A_35 = tpu.memref_slice %arg2[%add3A_6, %dma_wait3A_34] : memref<1280x128xi32, #tpu.memory_space<hbm>> -> memref<1x128xi32, #tpu.memory_space<hbm>>
      %dma_wait3A_36 = tpu.memref_squeeze %dma_wait3A_35 : memref<1x128xi32, #tpu.memory_space<hbm>> -> memref<128xi32, #tpu.memory_space<hbm>>
      %dma_wait3A_37 = arith.constant 0 : i32
      %dma_wait3A_38 = tpu.memref_slice %arg2[%add3A_6, %dma_wait3A_37] : memref<1280x128xi32, #tpu.memory_space<hbm>> -> memref<1x128xi32, #tpu.memory_space<hbm>>
      %dma_wait3A_39 = tpu.memref_squeeze %dma_wait3A_38 : memref<1x128xi32, #tpu.memory_space<hbm>> -> memref<128xi32, #tpu.memory_space<hbm>>
      tpu.wait_dma2 semaphore(%run_scoped3A : memref<!tpu.dma_semaphore, #tpu.memory_space<semaphore_mem>>) src(%dma_wait3A_39 : memref<128xi32, #tpu.memory_space<hbm>>) dst(%arg7 : memref<128xi32, #tpu.memory_space<vmem>>)
      tpu.yield
    }) : () -> ()
    %dma_start3A = arith.constant 0 : i32
    %dma_start3A_7 = arith.constant 0 : i32
    %dma_start3A_8 = tpu.memref_slice %arg6[%dma_start3A, %dma_start3A_7] : memref<10240x128xf32, #tpu.memory_space<vmem_shared>> -> memref<10240x128xf32, #tpu.memory_space<vmem_shared>>
    tpu.enqueue_indirect_dma source(%arg9 : memref<128x128xf32, #tpu.memory_space<vmem>>) target(%dma_start3A_8 : memref<10240x128xf32, #tpu.memory_space<vmem_shared>>) offsets(%arg7 : memref<128xi32, #tpu.memory_space<vmem>>) semaphore(%arg10 : memref<!tpu.dma_semaphore, #tpu.memory_space<semaphore_mem>>) {add = true}
    %add3A_9 = arith.constant 1 : i32
    %add3A_10 = arith.addi %add3A, %add3A_9 : i32
    "tpu.region"() ({
      %run_scoped3A = tpu.sem_alloc : memref<!tpu.dma_semaphore, #tpu.memory_space<semaphore_mem>>
      %dma_start3A_28 = arith.constant 0 : i32
      %dma_start3A_29 = tpu.memref_slice %arg2[%add3A_10, %dma_start3A_28] : memref<1280x128xi32, #tpu.memory_space<hbm>> -> memref<1x128xi32, #tpu.memory_space<hbm>>
      %dma_start3A_30 = tpu.memref_squeeze %dma_start3A_29 : memref<1x128xi32, #tpu.memory_space<hbm>> -> memref<128xi32, #tpu.memory_space<hbm>>
      %dma_start3A_31 = arith.constant 0 : i32
      %dma_start3A_32 = tpu.memref_slice %arg2[%add3A_10, %dma_start3A_31] : memref<1280x128xi32, #tpu.memory_space<hbm>> -> memref<1x128xi32, #tpu.memory_space<hbm>>
      %dma_start3A_33 = tpu.memref_squeeze %dma_start3A_32 : memref<1x128xi32, #tpu.memory_space<hbm>> -> memref<128xi32, #tpu.memory_space<hbm>>
      tpu.enqueue_dma source(%dma_start3A_33 : memref<128xi32, #tpu.memory_space<hbm>>) target(%arg8 : memref<128xi32, #tpu.memory_space<vmem>>) target_semaphore(%run_scoped3A : memref<!tpu.dma_semaphore, #tpu.memory_space<semaphore_mem>>)
      %dma_wait3A_34 = arith.constant 0 : i32
      %dma_wait3A_35 = tpu.memref_slice %arg2[%add3A_10, %dma_wait3A_34] : memref<1280x128xi32, #tpu.memory_space<hbm>> -> memref<1x128xi32, #tpu.memory_space<hbm>>
      %dma_wait3A_36 = tpu.memref_squeeze %dma_wait3A_35 : memref<1x128xi32, #tpu.memory_space<hbm>> -> memref<128xi32, #tpu.memory_space<hbm>>
      %dma_wait3A_37 = arith.constant 0 : i32
      %dma_wait3A_38 = tpu.memref_slice %arg2[%add3A_10, %dma_wait3A_37] : memref<1280x128xi32, #tpu.memory_space<hbm>> -> memref<1x128xi32, #tpu.memory_space<hbm>>
      %dma_wait3A_39 = tpu.memref_squeeze %dma_wait3A_38 : memref<1x128xi32, #tpu.memory_space<hbm>> -> memref<128xi32, #tpu.memory_space<hbm>>
      tpu.wait_dma2 semaphore(%run_scoped3A : memref<!tpu.dma_semaphore, #tpu.memory_space<semaphore_mem>>) src(%dma_wait3A_39 : memref<128xi32, #tpu.memory_space<hbm>>) dst(%arg8 : memref<128xi32, #tpu.memory_space<vmem>>)
      tpu.yield
    }) : () -> ()
    %dma_start3A_11 = arith.constant 0 : i32
    %dma_start3A_12 = arith.constant 0 : i32
    %dma_start3A_13 = tpu.memref_slice %arg6[%dma_start3A_11, %dma_start3A_12] : memref<10240x128xf32, #tpu.memory_space<vmem_shared>> -> memref<10240x128xf32, #tpu.memory_space<vmem_shared>>
    tpu.enqueue_indirect_dma source(%arg9 : memref<128x128xf32, #tpu.memory_space<vmem>>) target(%dma_start3A_13 : memref<10240x128xf32, #tpu.memory_space<vmem_shared>>) offsets(%arg8 : memref<128xi32, #tpu.memory_space<vmem>>) semaphore(%arg11 : memref<!tpu.dma_semaphore, #tpu.memory_space<semaphore_mem>>) {add = true}
    %scan3A = arith.constant 0 : i32
    %scan3A_14 = arith.constant 0 : i32
    %scan3A_15 = arith.constant 19 : i32
    %scan3A_16 = arith.addi %scan3A_14, %scan3A_15 : i32
    %scan3A_17 = arith.constant 1 : i32
    scf.for %scan3A_28 = %scan3A_14 to %scan3A_16 step %scan3A_17  : i32 {
      %mul3A_29 = arith.constant 2 : i32
      %mul3A_30 = arith.muli %mul3A_29, %scan3A_28 : i32
      %dma_wait3A_31 = arith.constant 0 : i32
      %dma_wait3A_32 = arith.constant 0 : i32
      %dma_wait3A_33 = tpu.memref_slice %arg6[%dma_wait3A_31, %dma_wait3A_32] : memref<10240x128xf32, #tpu.memory_space<vmem_shared>> -> memref<10240x128xf32, #tpu.memory_space<vmem_shared>>
      tpu.wait_indirect_dma semaphore(%arg10 : memref<!tpu.dma_semaphore, #tpu.memory_space<semaphore_mem>>) src(%arg9 : memref<128x128xf32, #tpu.memory_space<vmem>>) dst(%dma_wait3A_33 : memref<10240x128xf32, #tpu.memory_space<vmem_shared>>)
      %add3A_34 = arith.constant 2 : i32
      %add3A_35 = arith.addi %mul3A_30, %add3A_34 : i32
      %add3A_36 = arith.addi %add3A, %add3A_35 : i32
      "tpu.region"() ({
        %run_scoped3A = tpu.sem_alloc : memref<!tpu.dma_semaphore, #tpu.memory_space<semaphore_mem>>
        %dma_start3A_49 = arith.constant 0 : i32
        %dma_start3A_50 = tpu.memref_slice %arg2[%add3A_36, %dma_start3A_49] : memref<1280x128xi32, #tpu.memory_space<hbm>> -> memref<1x128xi32, #tpu.memory_space<hbm>>
        %dma_start3A_51 = tpu.memref_squeeze %dma_start3A_50 : memref<1x128xi32, #tpu.memory_space<hbm>> -> memref<128xi32, #tpu.memory_space<hbm>>
        %dma_start3A_52 = arith.constant 0 : i32
        %dma_start3A_53 = tpu.memref_slice %arg2[%add3A_36, %dma_start3A_52] : memref<1280x128xi32, #tpu.memory_space<hbm>> -> memref<1x128xi32, #tpu.memory_space<hbm>>
        %dma_start3A_54 = tpu.memref_squeeze %dma_start3A_53 : memref<1x128xi32, #tpu.memory_space<hbm>> -> memref<128xi32, #tpu.memory_space<hbm>>
        tpu.enqueue_dma source(%dma_start3A_54 : memref<128xi32, #tpu.memory_space<hbm>>) target(%arg7 : memref<128xi32, #tpu.memory_space<vmem>>) target_semaphore(%run_scoped3A : memref<!tpu.dma_semaphore, #tpu.memory_space<semaphore_mem>>)
        %dma_wait3A_55 = arith.constant 0 : i32
        %dma_wait3A_56 = tpu.memref_slice %arg2[%add3A_36, %dma_wait3A_55] : memref<1280x128xi32, #tpu.memory_space<hbm>> -> memref<1x128xi32, #tpu.memory_space<hbm>>
        %dma_wait3A_57 = tpu.memref_squeeze %dma_wait3A_56 : memref<1x128xi32, #tpu.memory_space<hbm>> -> memref<128xi32, #tpu.memory_space<hbm>>
        %dma_wait3A_58 = arith.constant 0 : i32
        %dma_wait3A_59 = tpu.memref_slice %arg2[%add3A_36, %dma_wait3A_58] : memref<1280x128xi32, #tpu.memory_space<hbm>> -> memref<1x128xi32, #tpu.memory_space<hbm>>
        %dma_wait3A_60 = tpu.memref_squeeze %dma_wait3A_59 : memref<1x128xi32, #tpu.memory_space<hbm>> -> memref<128xi32, #tpu.memory_space<hbm>>
        tpu.wait_dma2 semaphore(%run_scoped3A : memref<!tpu.dma_semaphore, #tpu.memory_space<semaphore_mem>>) src(%dma_wait3A_60 : memref<128xi32, #tpu.memory_space<hbm>>) dst(%arg7 : memref<128xi32, #tpu.memory_space<vmem>>)
        tpu.yield
      }) : () -> ()
      %dma_start3A_37 = arith.constant 0 : i32
      %dma_start3A_38 = arith.constant 0 : i32
      %dma_start3A_39 = tpu.memref_slice %arg6[%dma_start3A_37, %dma_start3A_38] : memref<10240x128xf32, #tpu.memory_space<vmem_shared>> -> memref<10240x128xf32, #tpu.memory_space<vmem_shared>>
      tpu.enqueue_indirect_dma source(%arg9 : memref<128x128xf32, #tpu.memory_space<vmem>>) target(%dma_start3A_39 : memref<10240x128xf32, #tpu.memory_space<vmem_shared>>) offsets(%arg7 : memref<128xi32, #tpu.memory_space<vmem>>) semaphore(%arg10 : memref<!tpu.dma_semaphore, #tpu.memory_space<semaphore_mem>>) {add = true}
      %dma_wait3A_40 = arith.constant 0 : i32
      %dma_wait3A_41 = arith.constant 0 : i32
      %dma_wait3A_42 = tpu.memref_slice %arg6[%dma_wait3A_40, %dma_wait3A_41] : memref<10240x128xf32, #tpu.memory_space<vmem_shared>> -> memref<10240x128xf32, #tpu.memory_space<vmem_shared>>
      tpu.wait_indirect_dma semaphore(%arg11 : memref<!tpu.dma_semaphore, #tpu.memory_space<semaphore_mem>>) src(%arg9 : memref<128x128xf32, #tpu.memory_space<vmem>>) dst(%dma_wait3A_42 : memref<10240x128xf32, #tpu.memory_space<vmem_shared>>)
      %add3A_43 = arith.constant 3 : i32
      %add3A_44 = arith.addi %mul3A_30, %add3A_43 : i32
      %add3A_45 = arith.addi %add3A, %add3A_44 : i32
      "tpu.region"() ({
        %run_scoped3A = tpu.sem_alloc : memref<!tpu.dma_semaphore, #tpu.memory_space<semaphore_mem>>
        %dma_start3A_49 = arith.constant 0 : i32
        %dma_start3A_50 = tpu.memref_slice %arg2[%add3A_45, %dma_start3A_49] : memref<1280x128xi32, #tpu.memory_space<hbm>> -> memref<1x128xi32, #tpu.memory_space<hbm>>
        %dma_start3A_51 = tpu.memref_squeeze %dma_start3A_50 : memref<1x128xi32, #tpu.memory_space<hbm>> -> memref<128xi32, #tpu.memory_space<hbm>>
        %dma_start3A_52 = arith.constant 0 : i32
        %dma_start3A_53 = tpu.memref_slice %arg2[%add3A_45, %dma_start3A_52] : memref<1280x128xi32, #tpu.memory_space<hbm>> -> memref<1x128xi32, #tpu.memory_space<hbm>>
        %dma_start3A_54 = tpu.memref_squeeze %dma_start3A_53 : memref<1x128xi32, #tpu.memory_space<hbm>> -> memref<128xi32, #tpu.memory_space<hbm>>
        tpu.enqueue_dma source(%dma_start3A_54 : memref<128xi32, #tpu.memory_space<hbm>>) target(%arg8 : memref<128xi32, #tpu.memory_space<vmem>>) target_semaphore(%run_scoped3A : memref<!tpu.dma_semaphore, #tpu.memory_space<semaphore_mem>>)
        %dma_wait3A_55 = arith.constant 0 : i32
        %dma_wait3A_56 = tpu.memref_slice %arg2[%add3A_45, %dma_wait3A_55] : memref<1280x128xi32, #tpu.memory_space<hbm>> -> memref<1x128xi32, #tpu.memory_space<hbm>>
        %dma_wait3A_57 = tpu.memref_squeeze %dma_wait3A_56 : memref<1x128xi32, #tpu.memory_space<hbm>> -> memref<128xi32, #tpu.memory_space<hbm>>
        %dma_wait3A_58 = arith.constant 0 : i32
        %dma_wait3A_59 = tpu.memref_slice %arg2[%add3A_45, %dma_wait3A_58] : memref<1280x128xi32, #tpu.memory_space<hbm>> -> memref<1x128xi32, #tpu.memory_space<hbm>>
        %dma_wait3A_60 = tpu.memref_squeeze %dma_wait3A_59 : memref<1x128xi32, #tpu.memory_space<hbm>> -> memref<128xi32, #tpu.memory_space<hbm>>
        tpu.wait_dma2 semaphore(%run_scoped3A : memref<!tpu.dma_semaphore, #tpu.memory_space<semaphore_mem>>) src(%dma_wait3A_60 : memref<128xi32, #tpu.memory_space<hbm>>) dst(%arg8 : memref<128xi32, #tpu.memory_space<vmem>>)
        tpu.yield
      }) : () -> ()
      %dma_start3A_46 = arith.constant 0 : i32
      %dma_start3A_47 = arith.constant 0 : i32
      %dma_start3A_48 = tpu.memref_slice %arg6[%dma_start3A_46, %dma_start3A_47] : memref<10240x128xf32, #tpu.memory_space<vmem_shared>> -> memref<10240x128xf32, #tpu.memory_space<vmem_shared>>
      tpu.enqueue_indirect_dma source(%arg9 : memref<128x128xf32, #tpu.memory_space<vmem>>) target(%dma_start3A_48 : memref<10240x128xf32, #tpu.memory_space<vmem_shared>>) offsets(%arg8 : memref<128xi32, #tpu.memory_space<vmem>>) semaphore(%arg11 : memref<!tpu.dma_semaphore, #tpu.memory_space<semaphore_mem>>) {add = true}
    }
    %scan3A_18 = arith.constant 19 : i32
    %dma_wait3A = arith.constant 0 : i32
    %dma_wait3A_19 = arith.constant 0 : i32
    %dma_wait3A_20 = tpu.memref_slice %arg6[%dma_wait3A, %dma_wait3A_19] : memref<10240x128xf32, #tpu.memory_space<vmem_shared>> -> memref<10240x128xf32, #tpu.memory_space<vmem_shared>>
    tpu.wait_indirect_dma semaphore(%arg10 : memref<!tpu.dma_semaphore, #tpu.memory_space<semaphore_mem>>) src(%arg9 : memref<128x128xf32, #tpu.memory_space<vmem>>) dst(%dma_wait3A_20 : memref<10240x128xf32, #tpu.memory_space<vmem_shared>>)
    %dma_wait3A_21 = arith.constant 0 : i32
    %dma_wait3A_22 = arith.constant 0 : i32
    %dma_wait3A_23 = tpu.memref_slice %arg6[%dma_wait3A_21, %dma_wait3A_22] : memref<10240x128xf32, #tpu.memory_space<vmem_shared>> -> memref<10240x128xf32, #tpu.memory_space<vmem_shared>>
    tpu.wait_indirect_dma semaphore(%arg11 : memref<!tpu.dma_semaphore, #tpu.memory_space<semaphore_mem>>) src(%arg9 : memref<128x128xf32, #tpu.memory_space<vmem>>) dst(%dma_wait3A_23 : memref<10240x128xf32, #tpu.memory_space<vmem_shared>>)
    %barrier3A_24 = arith.constant 0 : index
    tpu.barrier barrier_id(%barrier3A_24)
    %mul3A_25 = arith.constant 10240 : i32
    %mul3A_26 = arith.muli %arg0, %mul3A_25 : i32
    %add3A_27 = arith.addi %mul3A_26, %mul3A_4 : i32
    "tpu.region"() ({
      %run_scoped3A = tpu.sem_alloc : memref<!tpu.dma_semaphore, #tpu.memory_space<semaphore_mem>>
      %dma_start3A_28 = arith.constant 0 : i32
      %dma_start3A_29 = tpu.memref_slice %arg5[%add3A_27, %dma_start3A_28] : memref<20480x128xf32, #tpu.memory_space<hbm>> -> memref<640x128xf32, #tpu.memory_space<hbm>>
      %dma_start3A_30 = arith.constant 0 : i32
      %dma_start3A_31 = tpu.memref_slice %arg6[%mul3A_4, %dma_start3A_30] : memref<10240x128xf32, #tpu.memory_space<vmem_shared>> -> memref<640x128xf32, #tpu.memory_space<vmem_shared>>
      tpu.enqueue_dma source(%dma_start3A_31 : memref<640x128xf32, #tpu.memory_space<vmem_shared>>) target(%dma_start3A_29 : memref<640x128xf32, #tpu.memory_space<hbm>>) target_semaphore(%run_scoped3A : memref<!tpu.dma_semaphore, #tpu.memory_space<semaphore_mem>>)
      %dma_wait3A_32 = arith.constant 0 : i32
      %dma_wait3A_33 = tpu.memref_slice %arg5[%add3A_27, %dma_wait3A_32] : memref<20480x128xf32, #tpu.memory_space<hbm>> -> memref<640x128xf32, #tpu.memory_space<hbm>>
      %dma_wait3A_34 = arith.constant 0 : i32
      %dma_wait3A_35 = tpu.memref_slice %arg6[%mul3A_4, %dma_wait3A_34] : memref<10240x128xf32, #tpu.memory_space<vmem_shared>> -> memref<640x128xf32, #tpu.memory_space<vmem_shared>>
      tpu.wait_dma2 semaphore(%run_scoped3A : memref<!tpu.dma_semaphore, #tpu.memory_space<semaphore_mem>>) src(%dma_wait3A_35 : memref<640x128xf32, #tpu.memory_space<vmem_shared>>) dst(%dma_wait3A_33 : memref<640x128xf32, #tpu.memory_space<hbm>>)
      tpu.yield
    }) : () -> ()
    return
  }
}

#map = affine_map<(d0, d1) -> (0, 0)>
module attributes {stable_mosaic.version = 14 : i64} {
  func.func @sc_kernel(%arg0: i32, %arg1: i32, %arg2: memref<20000x128xf32, #tpu.memory_space<hbm>>, %arg3: memref<2560x128xi32, #tpu.memory_space<hbm>>, %arg4: memref<1280x128xi32, #tpu.memory_space<hbm>>, %arg5: memref<10112x128xf32, #tpu.memory_space<hbm>>, %arg6: memref<10112x256xf32, #tpu.memory_space<hbm>>, %arg7: memref<10112x128xf32, #tpu.memory_space<vmem_shared>>, %arg8: memref<128xi32, #tpu.memory_space<vmem>>, %arg9: memref<128xi32, #tpu.memory_space<vmem>>, %arg10: memref<128xi32, #tpu.memory_space<vmem>>, %arg11: memref<128xi32, #tpu.memory_space<vmem>>, %arg12: memref<128x128xf32, #tpu.memory_space<vmem>>, %arg13: memref<128x128xf32, #tpu.memory_space<vmem>>, %arg14: memref<!tpu.dma_semaphore, #tpu.memory_space<semaphore_mem>>, %arg15: memref<!tpu.dma_semaphore, #tpu.memory_space<semaphore_mem>>, %arg16: memref<!tpu.dma_semaphore, #tpu.memory_space<semaphore_mem>>, %arg17: memref<!tpu.dma_semaphore, #tpu.memory_space<semaphore_mem>>) attributes {dimension_semantics = [#tpu.dimension_semantics<core_parallel>, #tpu.dimension_semantics<subcore_parallel>], iteration_bounds = array<i64: 2, 16>, scalar_prefetch = 0 : i64, scratch_operands = 11 : i64, tpu.core_type = #tpu.core_type<sc_vector_subcore>, window_params = [{transform_indices = #map}, {transform_indices = #map}, {transform_indices = #map}, {transform_indices = #map}, {transform_indices = #map}]} {
    %mul3A = arith.constant 16 : i32
    %mul3A_0 = arith.muli %arg0, %mul3A : i32
    %add3A = arith.addi %mul3A_0, %arg1 : i32
    %mul3A_1 = arith.constant 80 : i32
    %mul3A_2 = arith.muli %add3A, %mul3A_1 : i32
    %mul3A_3 = arith.constant 80 : i32
    %mul3A_4 = arith.muli %arg1, %mul3A_3 : i32
    %mul3A_5 = arith.constant 632 : i32
    %mul3A_6 = arith.muli %arg1, %mul3A_5 : i32
    "tpu.region"() ({
      %run_scoped3A = tpu.sem_alloc : memref<!tpu.dma_semaphore, #tpu.memory_space<semaphore_mem>>
      %dma_start3A_45 = arith.constant 0 : i32
      %dma_start3A_46 = tpu.memref_slice %arg7[%mul3A_6, %dma_start3A_45] : memref<10112x128xf32, #tpu.memory_space<vmem_shared>> -> memref<632x128xf32, #tpu.memory_space<vmem_shared>>
      %dma_start3A_47 = arith.constant 0 : i32
      %dma_start3A_48 = tpu.memref_slice %arg5[%mul3A_6, %dma_start3A_47] : memref<10112x128xf32, #tpu.memory_space<hbm>> -> memref<632x128xf32, #tpu.memory_space<hbm>>
      tpu.enqueue_dma source(%dma_start3A_48 : memref<632x128xf32, #tpu.memory_space<hbm>>) target(%dma_start3A_46 : memref<632x128xf32, #tpu.memory_space<vmem_shared>>) target_semaphore(%run_scoped3A : memref<!tpu.dma_semaphore, #tpu.memory_space<semaphore_mem>>)
      %dma_wait3A_49 = arith.constant 0 : i32
      %dma_wait3A_50 = tpu.memref_slice %arg7[%mul3A_6, %dma_wait3A_49] : memref<10112x128xf32, #tpu.memory_space<vmem_shared>> -> memref<632x128xf32, #tpu.memory_space<vmem_shared>>
      %dma_wait3A_51 = arith.constant 0 : i32
      %dma_wait3A_52 = tpu.memref_slice %arg5[%mul3A_6, %dma_wait3A_51] : memref<10112x128xf32, #tpu.memory_space<hbm>> -> memref<632x128xf32, #tpu.memory_space<hbm>>
      tpu.wait_dma2 semaphore(%run_scoped3A : memref<!tpu.dma_semaphore, #tpu.memory_space<semaphore_mem>>) src(%dma_wait3A_52 : memref<632x128xf32, #tpu.memory_space<hbm>>) dst(%dma_wait3A_50 : memref<632x128xf32, #tpu.memory_space<vmem_shared>>)
      tpu.yield
    }) : () -> ()
    %barrier3A = arith.constant 0 : index
    tpu.barrier barrier_id(%barrier3A)
    %add3A_7 = arith.constant 0 : i32
    %add3A_8 = arith.addi %mul3A_2, %add3A_7 : i32
    "tpu.region"() ({
      %run_scoped3A = tpu.sem_alloc : memref<!tpu.dma_semaphore, #tpu.memory_space<semaphore_mem>>
      %dma_start3A_45 = arith.constant 0 : i32
      %dma_start3A_46 = tpu.memref_slice %arg3[%add3A_8, %dma_start3A_45] : memref<2560x128xi32, #tpu.memory_space<hbm>> -> memref<1x128xi32, #tpu.memory_space<hbm>>
      %dma_start3A_47 = tpu.memref_squeeze %dma_start3A_46 : memref<1x128xi32, #tpu.memory_space<hbm>> -> memref<128xi32, #tpu.memory_space<hbm>>
      %dma_start3A_48 = arith.constant 0 : i32
      %dma_start3A_49 = tpu.memref_slice %arg3[%add3A_8, %dma_start3A_48] : memref<2560x128xi32, #tpu.memory_space<hbm>> -> memref<1x128xi32, #tpu.memory_space<hbm>>
      %dma_start3A_50 = tpu.memref_squeeze %dma_start3A_49 : memref<1x128xi32, #tpu.memory_space<hbm>> -> memref<128xi32, #tpu.memory_space<hbm>>
      tpu.enqueue_dma source(%dma_start3A_50 : memref<128xi32, #tpu.memory_space<hbm>>) target(%arg8 : memref<128xi32, #tpu.memory_space<vmem>>) target_semaphore(%run_scoped3A : memref<!tpu.dma_semaphore, #tpu.memory_space<semaphore_mem>>)
      %dma_wait3A_51 = arith.constant 0 : i32
      %dma_wait3A_52 = tpu.memref_slice %arg3[%add3A_8, %dma_wait3A_51] : memref<2560x128xi32, #tpu.memory_space<hbm>> -> memref<1x128xi32, #tpu.memory_space<hbm>>
      %dma_wait3A_53 = tpu.memref_squeeze %dma_wait3A_52 : memref<1x128xi32, #tpu.memory_space<hbm>> -> memref<128xi32, #tpu.memory_space<hbm>>
      %dma_wait3A_54 = arith.constant 0 : i32
      %dma_wait3A_55 = tpu.memref_slice %arg3[%add3A_8, %dma_wait3A_54] : memref<2560x128xi32, #tpu.memory_space<hbm>> -> memref<1x128xi32, #tpu.memory_space<hbm>>
      %dma_wait3A_56 = tpu.memref_squeeze %dma_wait3A_55 : memref<1x128xi32, #tpu.memory_space<hbm>> -> memref<128xi32, #tpu.memory_space<hbm>>
      tpu.wait_dma2 semaphore(%run_scoped3A : memref<!tpu.dma_semaphore, #tpu.memory_space<semaphore_mem>>) src(%dma_wait3A_56 : memref<128xi32, #tpu.memory_space<hbm>>) dst(%arg8 : memref<128xi32, #tpu.memory_space<vmem>>)
      tpu.yield
    }) : () -> ()
    %add3A_9 = arith.constant 0 : i32
    %add3A_10 = arith.addi %mul3A_4, %add3A_9 : i32
    "tpu.region"() ({
      %run_scoped3A = tpu.sem_alloc : memref<!tpu.dma_semaphore, #tpu.memory_space<semaphore_mem>>
      %dma_start3A_45 = arith.constant 0 : i32
      %dma_start3A_46 = tpu.memref_slice %arg4[%add3A_10, %dma_start3A_45] : memref<1280x128xi32, #tpu.memory_space<hbm>> -> memref<1x128xi32, #tpu.memory_space<hbm>>
      %dma_start3A_47 = tpu.memref_squeeze %dma_start3A_46 : memref<1x128xi32, #tpu.memory_space<hbm>> -> memref<128xi32, #tpu.memory_space<hbm>>
      %dma_start3A_48 = arith.constant 0 : i32
      %dma_start3A_49 = tpu.memref_slice %arg4[%add3A_10, %dma_start3A_48] : memref<1280x128xi32, #tpu.memory_space<hbm>> -> memref<1x128xi32, #tpu.memory_space<hbm>>
      %dma_start3A_50 = tpu.memref_squeeze %dma_start3A_49 : memref<1x128xi32, #tpu.memory_space<hbm>> -> memref<128xi32, #tpu.memory_space<hbm>>
      tpu.enqueue_dma source(%dma_start3A_50 : memref<128xi32, #tpu.memory_space<hbm>>) target(%arg10 : memref<128xi32, #tpu.memory_space<vmem>>) target_semaphore(%run_scoped3A : memref<!tpu.dma_semaphore, #tpu.memory_space<semaphore_mem>>)
      %dma_wait3A_51 = arith.constant 0 : i32
      %dma_wait3A_52 = tpu.memref_slice %arg4[%add3A_10, %dma_wait3A_51] : memref<1280x128xi32, #tpu.memory_space<hbm>> -> memref<1x128xi32, #tpu.memory_space<hbm>>
      %dma_wait3A_53 = tpu.memref_squeeze %dma_wait3A_52 : memref<1x128xi32, #tpu.memory_space<hbm>> -> memref<128xi32, #tpu.memory_space<hbm>>
      %dma_wait3A_54 = arith.constant 0 : i32
      %dma_wait3A_55 = tpu.memref_slice %arg4[%add3A_10, %dma_wait3A_54] : memref<1280x128xi32, #tpu.memory_space<hbm>> -> memref<1x128xi32, #tpu.memory_space<hbm>>
      %dma_wait3A_56 = tpu.memref_squeeze %dma_wait3A_55 : memref<1x128xi32, #tpu.memory_space<hbm>> -> memref<128xi32, #tpu.memory_space<hbm>>
      tpu.wait_dma2 semaphore(%run_scoped3A : memref<!tpu.dma_semaphore, #tpu.memory_space<semaphore_mem>>) src(%dma_wait3A_56 : memref<128xi32, #tpu.memory_space<hbm>>) dst(%arg10 : memref<128xi32, #tpu.memory_space<vmem>>)
      tpu.yield
    }) : () -> ()
    %dma_start3A = arith.constant 0 : i32
    %dma_start3A_11 = arith.constant 0 : i32
    %dma_start3A_12 = tpu.memref_slice %arg2[%dma_start3A, %dma_start3A_11] : memref<20000x128xf32, #tpu.memory_space<hbm>> -> memref<20000x128xf32, #tpu.memory_space<hbm>>
    tpu.enqueue_indirect_dma source(%dma_start3A_12 : memref<20000x128xf32, #tpu.memory_space<hbm>>) target(%arg12 : memref<128x128xf32, #tpu.memory_space<vmem>>) offsets(%arg8 : memref<128xi32, #tpu.memory_space<vmem>>) semaphore(%arg14 : memref<!tpu.dma_semaphore, #tpu.memory_space<semaphore_mem>>)
    %add3A_13 = arith.constant 1 : i32
    %add3A_14 = arith.addi %mul3A_2, %add3A_13 : i32
    "tpu.region"() ({
      %run_scoped3A = tpu.sem_alloc : memref<!tpu.dma_semaphore, #tpu.memory_space<semaphore_mem>>
      %dma_start3A_45 = arith.constant 0 : i32
      %dma_start3A_46 = tpu.memref_slice %arg3[%add3A_14, %dma_start3A_45] : memref<2560x128xi32, #tpu.memory_space<hbm>> -> memref<1x128xi32, #tpu.memory_space<hbm>>
      %dma_start3A_47 = tpu.memref_squeeze %dma_start3A_46 : memref<1x128xi32, #tpu.memory_space<hbm>> -> memref<128xi32, #tpu.memory_space<hbm>>
      %dma_start3A_48 = arith.constant 0 : i32
      %dma_start3A_49 = tpu.memref_slice %arg3[%add3A_14, %dma_start3A_48] : memref<2560x128xi32, #tpu.memory_space<hbm>> -> memref<1x128xi32, #tpu.memory_space<hbm>>
      %dma_start3A_50 = tpu.memref_squeeze %dma_start3A_49 : memref<1x128xi32, #tpu.memory_space<hbm>> -> memref<128xi32, #tpu.memory_space<hbm>>
      tpu.enqueue_dma source(%dma_start3A_50 : memref<128xi32, #tpu.memory_space<hbm>>) target(%arg9 : memref<128xi32, #tpu.memory_space<vmem>>) target_semaphore(%run_scoped3A : memref<!tpu.dma_semaphore, #tpu.memory_space<semaphore_mem>>)
      %dma_wait3A_51 = arith.constant 0 : i32
      %dma_wait3A_52 = tpu.memref_slice %arg3[%add3A_14, %dma_wait3A_51] : memref<2560x128xi32, #tpu.memory_space<hbm>> -> memref<1x128xi32, #tpu.memory_space<hbm>>
      %dma_wait3A_53 = tpu.memref_squeeze %dma_wait3A_52 : memref<1x128xi32, #tpu.memory_space<hbm>> -> memref<128xi32, #tpu.memory_space<hbm>>
      %dma_wait3A_54 = arith.constant 0 : i32
      %dma_wait3A_55 = tpu.memref_slice %arg3[%add3A_14, %dma_wait3A_54] : memref<2560x128xi32, #tpu.memory_space<hbm>> -> memref<1x128xi32, #tpu.memory_space<hbm>>
      %dma_wait3A_56 = tpu.memref_squeeze %dma_wait3A_55 : memref<1x128xi32, #tpu.memory_space<hbm>> -> memref<128xi32, #tpu.memory_space<hbm>>
      tpu.wait_dma2 semaphore(%run_scoped3A : memref<!tpu.dma_semaphore, #tpu.memory_space<semaphore_mem>>) src(%dma_wait3A_56 : memref<128xi32, #tpu.memory_space<hbm>>) dst(%arg9 : memref<128xi32, #tpu.memory_space<vmem>>)
      tpu.yield
    }) : () -> ()
    %add3A_15 = arith.constant 1 : i32
    %add3A_16 = arith.addi %mul3A_4, %add3A_15 : i32
    "tpu.region"() ({
      %run_scoped3A = tpu.sem_alloc : memref<!tpu.dma_semaphore, #tpu.memory_space<semaphore_mem>>
      %dma_start3A_45 = arith.constant 0 : i32
      %dma_start3A_46 = tpu.memref_slice %arg4[%add3A_16, %dma_start3A_45] : memref<1280x128xi32, #tpu.memory_space<hbm>> -> memref<1x128xi32, #tpu.memory_space<hbm>>
      %dma_start3A_47 = tpu.memref_squeeze %dma_start3A_46 : memref<1x128xi32, #tpu.memory_space<hbm>> -> memref<128xi32, #tpu.memory_space<hbm>>
      %dma_start3A_48 = arith.constant 0 : i32
      %dma_start3A_49 = tpu.memref_slice %arg4[%add3A_16, %dma_start3A_48] : memref<1280x128xi32, #tpu.memory_space<hbm>> -> memref<1x128xi32, #tpu.memory_space<hbm>>
      %dma_start3A_50 = tpu.memref_squeeze %dma_start3A_49 : memref<1x128xi32, #tpu.memory_space<hbm>> -> memref<128xi32, #tpu.memory_space<hbm>>
      tpu.enqueue_dma source(%dma_start3A_50 : memref<128xi32, #tpu.memory_space<hbm>>) target(%arg11 : memref<128xi32, #tpu.memory_space<vmem>>) target_semaphore(%run_scoped3A : memref<!tpu.dma_semaphore, #tpu.memory_space<semaphore_mem>>)
      %dma_wait3A_51 = arith.constant 0 : i32
      %dma_wait3A_52 = tpu.memref_slice %arg4[%add3A_16, %dma_wait3A_51] : memref<1280x128xi32, #tpu.memory_space<hbm>> -> memref<1x128xi32, #tpu.memory_space<hbm>>
      %dma_wait3A_53 = tpu.memref_squeeze %dma_wait3A_52 : memref<1x128xi32, #tpu.memory_space<hbm>> -> memref<128xi32, #tpu.memory_space<hbm>>
      %dma_wait3A_54 = arith.constant 0 : i32
      %dma_wait3A_55 = tpu.memref_slice %arg4[%add3A_16, %dma_wait3A_54] : memref<1280x128xi32, #tpu.memory_space<hbm>> -> memref<1x128xi32, #tpu.memory_space<hbm>>
      %dma_wait3A_56 = tpu.memref_squeeze %dma_wait3A_55 : memref<1x128xi32, #tpu.memory_space<hbm>> -> memref<128xi32, #tpu.memory_space<hbm>>
      tpu.wait_dma2 semaphore(%run_scoped3A : memref<!tpu.dma_semaphore, #tpu.memory_space<semaphore_mem>>) src(%dma_wait3A_56 : memref<128xi32, #tpu.memory_space<hbm>>) dst(%arg11 : memref<128xi32, #tpu.memory_space<vmem>>)
      tpu.yield
    }) : () -> ()
    %dma_start3A_17 = arith.constant 0 : i32
    %dma_start3A_18 = arith.constant 0 : i32
    %dma_start3A_19 = tpu.memref_slice %arg2[%dma_start3A_17, %dma_start3A_18] : memref<20000x128xf32, #tpu.memory_space<hbm>> -> memref<20000x128xf32, #tpu.memory_space<hbm>>
    tpu.enqueue_indirect_dma source(%dma_start3A_19 : memref<20000x128xf32, #tpu.memory_space<hbm>>) target(%arg13 : memref<128x128xf32, #tpu.memory_space<vmem>>) offsets(%arg9 : memref<128xi32, #tpu.memory_space<vmem>>) semaphore(%arg15 : memref<!tpu.dma_semaphore, #tpu.memory_space<semaphore_mem>>)
    %scan3A = arith.constant 0 : i32
    %scan3A_20 = arith.constant 0 : i32
    %scan3A_21 = arith.constant 39 : i32
    %scan3A_22 = arith.addi %scan3A_20, %scan3A_21 : i32
    %scan3A_23 = arith.constant 1 : i32
    scf.for %scan3A_45 = %scan3A_20 to %scan3A_22 step %scan3A_23  : i32 {
      %mul3A_46 = arith.constant 2 : i32
      %mul3A_47 = arith.muli %mul3A_46, %scan3A_45 : i32
      %dma_wait3A_48 = arith.constant 0 : i32
      %dma_wait3A_49 = arith.constant 0 : i32
      %dma_wait3A_50 = tpu.memref_slice %arg2[%dma_wait3A_48, %dma_wait3A_49] : memref<20000x128xf32, #tpu.memory_space<hbm>> -> memref<20000x128xf32, #tpu.memory_space<hbm>>
      tpu.wait_indirect_dma semaphore(%arg14 : memref<!tpu.dma_semaphore, #tpu.memory_space<semaphore_mem>>) src(%dma_wait3A_50 : memref<20000x128xf32, #tpu.memory_space<hbm>>) dst(%arg12 : memref<128x128xf32, #tpu.memory_space<vmem>>)
      %dma_start3A_51 = arith.constant 0 : i32
      %dma_start3A_52 = arith.constant 0 : i32
      %dma_start3A_53 = tpu.memref_slice %arg7[%dma_start3A_51, %dma_start3A_52] : memref<10112x128xf32, #tpu.memory_space<vmem_shared>> -> memref<10112x128xf32, #tpu.memory_space<vmem_shared>>
      tpu.enqueue_indirect_dma source(%arg12 : memref<128x128xf32, #tpu.memory_space<vmem>>) target(%dma_start3A_53 : memref<10112x128xf32, #tpu.memory_space<vmem_shared>>) offsets(%arg10 : memref<128xi32, #tpu.memory_space<vmem>>) semaphore(%arg16 : memref<!tpu.dma_semaphore, #tpu.memory_space<semaphore_mem>>) {add = true}
      %dma_wait3A_54 = arith.constant 0 : i32
      %dma_wait3A_55 = arith.constant 0 : i32
      %dma_wait3A_56 = tpu.memref_slice %arg2[%dma_wait3A_54, %dma_wait3A_55] : memref<20000x128xf32, #tpu.memory_space<hbm>> -> memref<20000x128xf32, #tpu.memory_space<hbm>>
      tpu.wait_indirect_dma semaphore(%arg15 : memref<!tpu.dma_semaphore, #tpu.memory_space<semaphore_mem>>) src(%dma_wait3A_56 : memref<20000x128xf32, #tpu.memory_space<hbm>>) dst(%arg13 : memref<128x128xf32, #tpu.memory_space<vmem>>)
      %dma_start3A_57 = arith.constant 0 : i32
      %dma_start3A_58 = arith.constant 0 : i32
      %dma_start3A_59 = tpu.memref_slice %arg7[%dma_start3A_57, %dma_start3A_58] : memref<10112x128xf32, #tpu.memory_space<vmem_shared>> -> memref<10112x128xf32, #tpu.memory_space<vmem_shared>>
      tpu.enqueue_indirect_dma source(%arg13 : memref<128x128xf32, #tpu.memory_space<vmem>>) target(%dma_start3A_59 : memref<10112x128xf32, #tpu.memory_space<vmem_shared>>) offsets(%arg11 : memref<128xi32, #tpu.memory_space<vmem>>) semaphore(%arg17 : memref<!tpu.dma_semaphore, #tpu.memory_space<semaphore_mem>>) {add = true}
      %dma_wait3A_60 = arith.constant 0 : i32
      %dma_wait3A_61 = arith.constant 0 : i32
      %dma_wait3A_62 = tpu.memref_slice %arg7[%dma_wait3A_60, %dma_wait3A_61] : memref<10112x128xf32, #tpu.memory_space<vmem_shared>> -> memref<10112x128xf32, #tpu.memory_space<vmem_shared>>
      tpu.wait_indirect_dma semaphore(%arg16 : memref<!tpu.dma_semaphore, #tpu.memory_space<semaphore_mem>>) src(%arg12 : memref<128x128xf32, #tpu.memory_space<vmem>>) dst(%dma_wait3A_62 : memref<10112x128xf32, #tpu.memory_space<vmem_shared>>)
      %add3A_63 = arith.constant 2 : i32
      %add3A_64 = arith.addi %mul3A_47, %add3A_63 : i32
      %add3A_65 = arith.addi %mul3A_2, %add3A_64 : i32
      "tpu.region"() ({
        %run_scoped3A = tpu.sem_alloc : memref<!tpu.dma_semaphore, #tpu.memory_space<semaphore_mem>>
        %dma_start3A_80 = arith.constant 0 : i32
        %dma_start3A_81 = tpu.memref_slice %arg3[%add3A_65, %dma_start3A_80] : memref<2560x128xi32, #tpu.memory_space<hbm>> -> memref<1x128xi32, #tpu.memory_space<hbm>>
        %dma_start3A_82 = tpu.memref_squeeze %dma_start3A_81 : memref<1x128xi32, #tpu.memory_space<hbm>> -> memref<128xi32, #tpu.memory_space<hbm>>
        %dma_start3A_83 = arith.constant 0 : i32
        %dma_start3A_84 = tpu.memref_slice %arg3[%add3A_65, %dma_start3A_83] : memref<2560x128xi32, #tpu.memory_space<hbm>> -> memref<1x128xi32, #tpu.memory_space<hbm>>
        %dma_start3A_85 = tpu.memref_squeeze %dma_start3A_84 : memref<1x128xi32, #tpu.memory_space<hbm>> -> memref<128xi32, #tpu.memory_space<hbm>>
        tpu.enqueue_dma source(%dma_start3A_85 : memref<128xi32, #tpu.memory_space<hbm>>) target(%arg8 : memref<128xi32, #tpu.memory_space<vmem>>) target_semaphore(%run_scoped3A : memref<!tpu.dma_semaphore, #tpu.memory_space<semaphore_mem>>)
        %dma_wait3A_86 = arith.constant 0 : i32
        %dma_wait3A_87 = tpu.memref_slice %arg3[%add3A_65, %dma_wait3A_86] : memref<2560x128xi32, #tpu.memory_space<hbm>> -> memref<1x128xi32, #tpu.memory_space<hbm>>
        %dma_wait3A_88 = tpu.memref_squeeze %dma_wait3A_87 : memref<1x128xi32, #tpu.memory_space<hbm>> -> memref<128xi32, #tpu.memory_space<hbm>>
        %dma_wait3A_89 = arith.constant 0 : i32
        %dma_wait3A_90 = tpu.memref_slice %arg3[%add3A_65, %dma_wait3A_89] : memref<2560x128xi32, #tpu.memory_space<hbm>> -> memref<1x128xi32, #tpu.memory_space<hbm>>
        %dma_wait3A_91 = tpu.memref_squeeze %dma_wait3A_90 : memref<1x128xi32, #tpu.memory_space<hbm>> -> memref<128xi32, #tpu.memory_space<hbm>>
        tpu.wait_dma2 semaphore(%run_scoped3A : memref<!tpu.dma_semaphore, #tpu.memory_space<semaphore_mem>>) src(%dma_wait3A_91 : memref<128xi32, #tpu.memory_space<hbm>>) dst(%arg8 : memref<128xi32, #tpu.memory_space<vmem>>)
        tpu.yield
      }) : () -> ()
      %add3A_66 = arith.addi %mul3A_4, %add3A_64 : i32
      "tpu.region"() ({
        %run_scoped3A = tpu.sem_alloc : memref<!tpu.dma_semaphore, #tpu.memory_space<semaphore_mem>>
        %dma_start3A_80 = arith.constant 0 : i32
        %dma_start3A_81 = tpu.memref_slice %arg4[%add3A_66, %dma_start3A_80] : memref<1280x128xi32, #tpu.memory_space<hbm>> -> memref<1x128xi32, #tpu.memory_space<hbm>>
        %dma_start3A_82 = tpu.memref_squeeze %dma_start3A_81 : memref<1x128xi32, #tpu.memory_space<hbm>> -> memref<128xi32, #tpu.memory_space<hbm>>
        %dma_start3A_83 = arith.constant 0 : i32
        %dma_start3A_84 = tpu.memref_slice %arg4[%add3A_66, %dma_start3A_83] : memref<1280x128xi32, #tpu.memory_space<hbm>> -> memref<1x128xi32, #tpu.memory_space<hbm>>
        %dma_start3A_85 = tpu.memref_squeeze %dma_start3A_84 : memref<1x128xi32, #tpu.memory_space<hbm>> -> memref<128xi32, #tpu.memory_space<hbm>>
        tpu.enqueue_dma source(%dma_start3A_85 : memref<128xi32, #tpu.memory_space<hbm>>) target(%arg10 : memref<128xi32, #tpu.memory_space<vmem>>) target_semaphore(%run_scoped3A : memref<!tpu.dma_semaphore, #tpu.memory_space<semaphore_mem>>)
        %dma_wait3A_86 = arith.constant 0 : i32
        %dma_wait3A_87 = tpu.memref_slice %arg4[%add3A_66, %dma_wait3A_86] : memref<1280x128xi32, #tpu.memory_space<hbm>> -> memref<1x128xi32, #tpu.memory_space<hbm>>
        %dma_wait3A_88 = tpu.memref_squeeze %dma_wait3A_87 : memref<1x128xi32, #tpu.memory_space<hbm>> -> memref<128xi32, #tpu.memory_space<hbm>>
        %dma_wait3A_89 = arith.constant 0 : i32
        %dma_wait3A_90 = tpu.memref_slice %arg4[%add3A_66, %dma_wait3A_89] : memref<1280x128xi32, #tpu.memory_space<hbm>> -> memref<1x128xi32, #tpu.memory_space<hbm>>
        %dma_wait3A_91 = tpu.memref_squeeze %dma_wait3A_90 : memref<1x128xi32, #tpu.memory_space<hbm>> -> memref<128xi32, #tpu.memory_space<hbm>>
        tpu.wait_dma2 semaphore(%run_scoped3A : memref<!tpu.dma_semaphore, #tpu.memory_space<semaphore_mem>>) src(%dma_wait3A_91 : memref<128xi32, #tpu.memory_space<hbm>>) dst(%arg10 : memref<128xi32, #tpu.memory_space<vmem>>)
        tpu.yield
      }) : () -> ()
      %dma_start3A_67 = arith.constant 0 : i32
      %dma_start3A_68 = arith.constant 0 : i32
      %dma_start3A_69 = tpu.memref_slice %arg2[%dma_start3A_67, %dma_start3A_68] : memref<20000x128xf32, #tpu.memory_space<hbm>> -> memref<20000x128xf32, #tpu.memory_space<hbm>>
      tpu.enqueue_indirect_dma source(%dma_start3A_69 : memref<20000x128xf32, #tpu.memory_space<hbm>>) target(%arg12 : memref<128x128xf32, #tpu.memory_space<vmem>>) offsets(%arg8 : memref<128xi32, #tpu.memory_space<vmem>>) semaphore(%arg14 : memref<!tpu.dma_semaphore, #tpu.memory_space<semaphore_mem>>)
      %dma_wait3A_70 = arith.constant 0 : i32
      %dma_wait3A_71 = arith.constant 0 : i32
      %dma_wait3A_72 = tpu.memref_slice %arg7[%dma_wait3A_70, %dma_wait3A_71] : memref<10112x128xf32, #tpu.memory_space<vmem_shared>> -> memref<10112x128xf32, #tpu.memory_space<vmem_shared>>
      tpu.wait_indirect_dma semaphore(%arg17 : memref<!tpu.dma_semaphore, #tpu.memory_space<semaphore_mem>>) src(%arg13 : memref<128x128xf32, #tpu.memory_space<vmem>>) dst(%dma_wait3A_72 : memref<10112x128xf32, #tpu.memory_space<vmem_shared>>)
      %add3A_73 = arith.constant 3 : i32
      %add3A_74 = arith.addi %mul3A_47, %add3A_73 : i32
      %add3A_75 = arith.addi %mul3A_2, %add3A_74 : i32
      "tpu.region"() ({
        %run_scoped3A = tpu.sem_alloc : memref<!tpu.dma_semaphore, #tpu.memory_space<semaphore_mem>>
        %dma_start3A_80 = arith.constant 0 : i32
        %dma_start3A_81 = tpu.memref_slice %arg3[%add3A_75, %dma_start3A_80] : memref<2560x128xi32, #tpu.memory_space<hbm>> -> memref<1x128xi32, #tpu.memory_space<hbm>>
        %dma_start3A_82 = tpu.memref_squeeze %dma_start3A_81 : memref<1x128xi32, #tpu.memory_space<hbm>> -> memref<128xi32, #tpu.memory_space<hbm>>
        %dma_start3A_83 = arith.constant 0 : i32
        %dma_start3A_84 = tpu.memref_slice %arg3[%add3A_75, %dma_start3A_83] : memref<2560x128xi32, #tpu.memory_space<hbm>> -> memref<1x128xi32, #tpu.memory_space<hbm>>
        %dma_start3A_85 = tpu.memref_squeeze %dma_start3A_84 : memref<1x128xi32, #tpu.memory_space<hbm>> -> memref<128xi32, #tpu.memory_space<hbm>>
        tpu.enqueue_dma source(%dma_start3A_85 : memref<128xi32, #tpu.memory_space<hbm>>) target(%arg9 : memref<128xi32, #tpu.memory_space<vmem>>) target_semaphore(%run_scoped3A : memref<!tpu.dma_semaphore, #tpu.memory_space<semaphore_mem>>)
        %dma_wait3A_86 = arith.constant 0 : i32
        %dma_wait3A_87 = tpu.memref_slice %arg3[%add3A_75, %dma_wait3A_86] : memref<2560x128xi32, #tpu.memory_space<hbm>> -> memref<1x128xi32, #tpu.memory_space<hbm>>
        %dma_wait3A_88 = tpu.memref_squeeze %dma_wait3A_87 : memref<1x128xi32, #tpu.memory_space<hbm>> -> memref<128xi32, #tpu.memory_space<hbm>>
        %dma_wait3A_89 = arith.constant 0 : i32
        %dma_wait3A_90 = tpu.memref_slice %arg3[%add3A_75, %dma_wait3A_89] : memref<2560x128xi32, #tpu.memory_space<hbm>> -> memref<1x128xi32, #tpu.memory_space<hbm>>
        %dma_wait3A_91 = tpu.memref_squeeze %dma_wait3A_90 : memref<1x128xi32, #tpu.memory_space<hbm>> -> memref<128xi32, #tpu.memory_space<hbm>>
        tpu.wait_dma2 semaphore(%run_scoped3A : memref<!tpu.dma_semaphore, #tpu.memory_space<semaphore_mem>>) src(%dma_wait3A_91 : memref<128xi32, #tpu.memory_space<hbm>>) dst(%arg9 : memref<128xi32, #tpu.memory_space<vmem>>)
        tpu.yield
      }) : () -> ()
      %add3A_76 = arith.addi %mul3A_4, %add3A_74 : i32
      "tpu.region"() ({
        %run_scoped3A = tpu.sem_alloc : memref<!tpu.dma_semaphore, #tpu.memory_space<semaphore_mem>>
        %dma_start3A_80 = arith.constant 0 : i32
        %dma_start3A_81 = tpu.memref_slice %arg4[%add3A_76, %dma_start3A_80] : memref<1280x128xi32, #tpu.memory_space<hbm>> -> memref<1x128xi32, #tpu.memory_space<hbm>>
        %dma_start3A_82 = tpu.memref_squeeze %dma_start3A_81 : memref<1x128xi32, #tpu.memory_space<hbm>> -> memref<128xi32, #tpu.memory_space<hbm>>
        %dma_start3A_83 = arith.constant 0 : i32
        %dma_start3A_84 = tpu.memref_slice %arg4[%add3A_76, %dma_start3A_83] : memref<1280x128xi32, #tpu.memory_space<hbm>> -> memref<1x128xi32, #tpu.memory_space<hbm>>
        %dma_start3A_85 = tpu.memref_squeeze %dma_start3A_84 : memref<1x128xi32, #tpu.memory_space<hbm>> -> memref<128xi32, #tpu.memory_space<hbm>>
        tpu.enqueue_dma source(%dma_start3A_85 : memref<128xi32, #tpu.memory_space<hbm>>) target(%arg11 : memref<128xi32, #tpu.memory_space<vmem>>) target_semaphore(%run_scoped3A : memref<!tpu.dma_semaphore, #tpu.memory_space<semaphore_mem>>)
        %dma_wait3A_86 = arith.constant 0 : i32
        %dma_wait3A_87 = tpu.memref_slice %arg4[%add3A_76, %dma_wait3A_86] : memref<1280x128xi32, #tpu.memory_space<hbm>> -> memref<1x128xi32, #tpu.memory_space<hbm>>
        %dma_wait3A_88 = tpu.memref_squeeze %dma_wait3A_87 : memref<1x128xi32, #tpu.memory_space<hbm>> -> memref<128xi32, #tpu.memory_space<hbm>>
        %dma_wait3A_89 = arith.constant 0 : i32
        %dma_wait3A_90 = tpu.memref_slice %arg4[%add3A_76, %dma_wait3A_89] : memref<1280x128xi32, #tpu.memory_space<hbm>> -> memref<1x128xi32, #tpu.memory_space<hbm>>
        %dma_wait3A_91 = tpu.memref_squeeze %dma_wait3A_90 : memref<1x128xi32, #tpu.memory_space<hbm>> -> memref<128xi32, #tpu.memory_space<hbm>>
        tpu.wait_dma2 semaphore(%run_scoped3A : memref<!tpu.dma_semaphore, #tpu.memory_space<semaphore_mem>>) src(%dma_wait3A_91 : memref<128xi32, #tpu.memory_space<hbm>>) dst(%arg11 : memref<128xi32, #tpu.memory_space<vmem>>)
        tpu.yield
      }) : () -> ()
      %dma_start3A_77 = arith.constant 0 : i32
      %dma_start3A_78 = arith.constant 0 : i32
      %dma_start3A_79 = tpu.memref_slice %arg2[%dma_start3A_77, %dma_start3A_78] : memref<20000x128xf32, #tpu.memory_space<hbm>> -> memref<20000x128xf32, #tpu.memory_space<hbm>>
      tpu.enqueue_indirect_dma source(%dma_start3A_79 : memref<20000x128xf32, #tpu.memory_space<hbm>>) target(%arg13 : memref<128x128xf32, #tpu.memory_space<vmem>>) offsets(%arg9 : memref<128xi32, #tpu.memory_space<vmem>>) semaphore(%arg15 : memref<!tpu.dma_semaphore, #tpu.memory_space<semaphore_mem>>)
    }
    %scan3A_24 = arith.constant 39 : i32
    %dma_wait3A = arith.constant 0 : i32
    %dma_wait3A_25 = arith.constant 0 : i32
    %dma_wait3A_26 = tpu.memref_slice %arg2[%dma_wait3A, %dma_wait3A_25] : memref<20000x128xf32, #tpu.memory_space<hbm>> -> memref<20000x128xf32, #tpu.memory_space<hbm>>
    tpu.wait_indirect_dma semaphore(%arg14 : memref<!tpu.dma_semaphore, #tpu.memory_space<semaphore_mem>>) src(%dma_wait3A_26 : memref<20000x128xf32, #tpu.memory_space<hbm>>) dst(%arg12 : memref<128x128xf32, #tpu.memory_space<vmem>>)
    %dma_start3A_27 = arith.constant 0 : i32
    %dma_start3A_28 = arith.constant 0 : i32
    %dma_start3A_29 = tpu.memref_slice %arg7[%dma_start3A_27, %dma_start3A_28] : memref<10112x128xf32, #tpu.memory_space<vmem_shared>> -> memref<10112x128xf32, #tpu.memory_space<vmem_shared>>
    tpu.enqueue_indirect_dma source(%arg12 : memref<128x128xf32, #tpu.memory_space<vmem>>) target(%dma_start3A_29 : memref<10112x128xf32, #tpu.memory_space<vmem_shared>>) offsets(%arg10 : memref<128xi32, #tpu.memory_space<vmem>>) semaphore(%arg16 : memref<!tpu.dma_semaphore, #tpu.memory_space<semaphore_mem>>) {add = true}
    %dma_wait3A_30 = arith.constant 0 : i32
    %dma_wait3A_31 = arith.constant 0 : i32
    %dma_wait3A_32 = tpu.memref_slice %arg2[%dma_wait3A_30, %dma_wait3A_31] : memref<20000x128xf32, #tpu.memory_space<hbm>> -> memref<20000x128xf32, #tpu.memory_space<hbm>>
    tpu.wait_indirect_dma semaphore(%arg15 : memref<!tpu.dma_semaphore, #tpu.memory_space<semaphore_mem>>) src(%dma_wait3A_32 : memref<20000x128xf32, #tpu.memory_space<hbm>>) dst(%arg13 : memref<128x128xf32, #tpu.memory_space<vmem>>)
    %dma_start3A_33 = arith.constant 0 : i32
    %dma_start3A_34 = arith.constant 0 : i32
    %dma_start3A_35 = tpu.memref_slice %arg7[%dma_start3A_33, %dma_start3A_34] : memref<10112x128xf32, #tpu.memory_space<vmem_shared>> -> memref<10112x128xf32, #tpu.memory_space<vmem_shared>>
    tpu.enqueue_indirect_dma source(%arg13 : memref<128x128xf32, #tpu.memory_space<vmem>>) target(%dma_start3A_35 : memref<10112x128xf32, #tpu.memory_space<vmem_shared>>) offsets(%arg11 : memref<128xi32, #tpu.memory_space<vmem>>) semaphore(%arg17 : memref<!tpu.dma_semaphore, #tpu.memory_space<semaphore_mem>>) {add = true}
    %dma_wait3A_36 = arith.constant 0 : i32
    %dma_wait3A_37 = arith.constant 0 : i32
    %dma_wait3A_38 = tpu.memref_slice %arg7[%dma_wait3A_36, %dma_wait3A_37] : memref<10112x128xf32, #tpu.memory_space<vmem_shared>> -> memref<10112x128xf32, #tpu.memory_space<vmem_shared>>
    tpu.wait_indirect_dma semaphore(%arg16 : memref<!tpu.dma_semaphore, #tpu.memory_space<semaphore_mem>>) src(%arg12 : memref<128x128xf32, #tpu.memory_space<vmem>>) dst(%dma_wait3A_38 : memref<10112x128xf32, #tpu.memory_space<vmem_shared>>)
    %dma_wait3A_39 = arith.constant 0 : i32
    %dma_wait3A_40 = arith.constant 0 : i32
    %dma_wait3A_41 = tpu.memref_slice %arg7[%dma_wait3A_39, %dma_wait3A_40] : memref<10112x128xf32, #tpu.memory_space<vmem_shared>> -> memref<10112x128xf32, #tpu.memory_space<vmem_shared>>
    tpu.wait_indirect_dma semaphore(%arg17 : memref<!tpu.dma_semaphore, #tpu.memory_space<semaphore_mem>>) src(%arg13 : memref<128x128xf32, #tpu.memory_space<vmem>>) dst(%dma_wait3A_41 : memref<10112x128xf32, #tpu.memory_space<vmem_shared>>)
    %barrier3A_42 = arith.constant 0 : index
    tpu.barrier barrier_id(%barrier3A_42)
    %mul3A_43 = arith.constant 128 : i32
    %mul3A_44 = arith.muli %arg0, %mul3A_43 : i32
    "tpu.region"() ({
      %run_scoped3A = tpu.sem_alloc : memref<!tpu.dma_semaphore, #tpu.memory_space<semaphore_mem>>
      %dma_start3A_45 = tpu.memref_slice %arg6[%mul3A_6, %mul3A_44] : memref<10112x256xf32, #tpu.memory_space<hbm>> -> memref<632x128xf32, #tpu.memory_space<hbm>>
      %dma_start3A_46 = arith.constant 0 : i32
      %dma_start3A_47 = tpu.memref_slice %arg7[%mul3A_6, %dma_start3A_46] : memref<10112x128xf32, #tpu.memory_space<vmem_shared>> -> memref<632x128xf32, #tpu.memory_space<vmem_shared>>
      tpu.enqueue_dma source(%dma_start3A_47 : memref<632x128xf32, #tpu.memory_space<vmem_shared>>) target(%dma_start3A_45 : memref<632x128xf32, #tpu.memory_space<hbm>>) target_semaphore(%run_scoped3A : memref<!tpu.dma_semaphore, #tpu.memory_space<semaphore_mem>>)
      %dma_wait3A_48 = tpu.memref_slice %arg6[%mul3A_6, %mul3A_44] : memref<10112x256xf32, #tpu.memory_space<hbm>> -> memref<632x128xf32, #tpu.memory_space<hbm>>
      %dma_wait3A_49 = arith.constant 0 : i32
      %dma_wait3A_50 = tpu.memref_slice %arg7[%mul3A_6, %dma_wait3A_49] : memref<10112x128xf32, #tpu.memory_space<vmem_shared>> -> memref<632x128xf32, #tpu.memory_space<vmem_shared>>
      tpu.wait_dma2 semaphore(%run_scoped3A : memref<!tpu.dma_semaphore, #tpu.memory_space<semaphore_mem>>) src(%dma_wait3A_50 : memref<632x128xf32, #tpu.memory_space<vmem_shared>>) dst(%dma_wait3A_48 : memref<632x128xf32, #tpu.memory_space<hbm>>)
      tpu.yield
    }) : () -> ()
    return
  }
}

module attributes {stable_mosaic.version = 14 : i64} {
  func.func @body(%arg0: i32, %arg1: memref<400x256xf32, #tpu.memory_space<vmem>>, %arg2: memref<400x256xf32, #tpu.memory_space<vmem>>, %arg3: memref<400x1xf32, #tpu.memory_space<vmem>>, %arg4: memref<400x1xf32, #tpu.memory_space<vmem>>, %arg5: memref<256x256xf32, #tpu.memory_space<vmem>>, %arg6: memref<256x256xf32, #tpu.memory_space<vmem>>, %arg7: memref<1x256xf32, #tpu.memory_space<vmem>>, %arg8: memref<1x256xf32, #tpu.memory_space<vmem>>, %arg9: memref<1x256xf32, #tpu.memory_space<vmem>>, %arg10: memref<400x256xf32, #tpu.memory_space<vmem>>) attributes {dimension_semantics = [#tpu.dimension_semantics<arbitrary>], iteration_bounds = array<i64: 25>, scalar_prefetch = 0 : i64, scratch_operands = 0 : i64, tpu.core_type = #tpu.core_type<tc>, window_params = [{transform_indices = @transform_0, window_bounds = array<i64: 400, 256>}, {transform_indices = @transform_1, window_bounds = array<i64: 400, 256>}, {transform_indices = @transform_2, window_bounds = array<i64: 400, 1>}, {transform_indices = @transform_3, window_bounds = array<i64: 400, 1>}, {pipeline_mode = #tpu.pipeline_mode<synchronous>, transform_indices = @transform_4, window_bounds = array<i64: 256, 256>}, {pipeline_mode = #tpu.pipeline_mode<synchronous>, transform_indices = @transform_5, window_bounds = array<i64: 256, 256>}, {pipeline_mode = #tpu.pipeline_mode<synchronous>, transform_indices = @transform_6, window_bounds = array<i64: 1, 256>}, {pipeline_mode = #tpu.pipeline_mode<synchronous>, transform_indices = @transform_7, window_bounds = array<i64: 1, 256>}, {pipeline_mode = #tpu.pipeline_mode<synchronous>, transform_indices = @transform_8, window_bounds = array<i64: 1, 256>}, {transform_indices = @transform_9, window_bounds = array<i64: 400, 256>}]} {
    %get3A = arith.constant 0 : index
    %get3A_0 = arith.constant 0 : index
    %get3A_1 = vector.load %arg3[%get3A, %get3A_0] : memref<400x1xf32, #tpu.memory_space<vmem>>, vector<400x1xf32>
    %get3A_2 = arith.constant 0 : index
    %get3A_3 = arith.constant 0 : index
    %get3A_4 = vector.load %arg4[%get3A_2, %get3A_3] : memref<400x1xf32, #tpu.memory_space<vmem>>, vector<400x1xf32>
    %add3A = arith.addf %get3A_1, %get3A_4 : vector<400x1xf32>
    %max3A = arith.constant 1.000000e+00 : f32
    %max3A_5 = vector.broadcast %max3A : f32 to vector<400x1xf32>
    %max3A_6 = arith.maximumf %add3A, %max3A_5 : vector<400x1xf32>
    %get3A_7 = arith.constant 0 : index
    %get3A_8 = arith.constant 0 : index
    %get3A_9 = vector.load %arg1[%get3A_7, %get3A_8] : memref<400x256xf32, #tpu.memory_space<vmem>>, vector<400x256xf32>
    %div3A = vector.broadcast %max3A_6 : vector<400x1xf32> to vector<400x256xf32>
    %div3A_10 = arith.divf %get3A_9, %div3A : vector<400x256xf32>
    %get3A_11 = arith.constant 0 : index
    %get3A_12 = arith.constant 0 : index
    %get3A_13 = vector.load %arg5[%get3A_11, %get3A_12] : memref<256x256xf32, #tpu.memory_space<vmem>>, vector<256x256xf32>
    %dot_general3A = arith.constant dense<0.000000e+00> : vector<400x256xf32>
    %dot_general3A_14 = tpu.matmul %div3A_10, %get3A_13, %dot_general3A {dimension_numbers = #tpu.dot_dimension_numbers<[1], [0], [0], [1], [0, 0, 1, 1], [], []>, transpose_lhs_hint = false} : vector<400x256xf32>, vector<256x256xf32>, vector<400x256xf32> -> vector<400x256xf32>
    %get3A_15 = arith.constant 0 : index
    %get3A_16 = arith.constant 0 : index
    %get3A_17 = vector.load %arg7[%get3A_15, %get3A_16] : memref<1x256xf32, #tpu.memory_space<vmem>>, vector<1x256xf32>
    %add3A_18 = vector.broadcast %get3A_17 : vector<1x256xf32> to vector<400x256xf32>
    %add3A_19 = arith.addf %dot_general3A_14, %add3A_18 : vector<400x256xf32>
    %get3A_20 = arith.constant 0 : index
    %get3A_21 = arith.constant 0 : index
    %get3A_22 = vector.load %arg2[%get3A_20, %get3A_21] : memref<400x256xf32, #tpu.memory_space<vmem>>, vector<400x256xf32>
    %get3A_23 = arith.constant 0 : index
    %get3A_24 = arith.constant 0 : index
    %get3A_25 = vector.load %arg6[%get3A_23, %get3A_24] : memref<256x256xf32, #tpu.memory_space<vmem>>, vector<256x256xf32>
    %dot_general3A_26 = arith.constant dense<0.000000e+00> : vector<400x256xf32>
    %dot_general3A_27 = tpu.matmul %get3A_22, %get3A_25, %dot_general3A_26 {dimension_numbers = #tpu.dot_dimension_numbers<[1], [0], [0], [1], [0, 0, 1, 1], [], []>, transpose_lhs_hint = false} : vector<400x256xf32>, vector<256x256xf32>, vector<400x256xf32> -> vector<400x256xf32>
    %add3A_28 = arith.addf %add3A_19, %dot_general3A_27 : vector<400x256xf32>
    %mul3A = arith.mulf %add3A_28, %add3A_28 : vector<400x256xf32>
    %reduce_sum3A = arith.constant dense<0.000000e+00> : vector<400xf32>
    %reduce_sum3A_29 = vector.multi_reduction <add>, %mul3A, %reduce_sum3A [1] : vector<400x256xf32> to vector<400xf32>
    %broadcast_in_dim3A = vector.shape_cast %reduce_sum3A_29 : vector<400xf32> to vector<400x1xf32>
    %sqrt3A = math.sqrt %broadcast_in_dim3A : vector<400x1xf32>
    %max3A_30 = arith.constant 9.99999996E-13 : f32
    %max3A_31 = vector.broadcast %max3A_30 : f32 to vector<400x1xf32>
    %max3A_32 = arith.maximumf %sqrt3A, %max3A_31 : vector<400x1xf32>
    %div3A_33 = vector.broadcast %max3A_32 : vector<400x1xf32> to vector<400x256xf32>
    %div3A_34 = arith.divf %add3A_28, %div3A_33 : vector<400x256xf32>
    %get3A_35 = arith.constant 0 : index
    %get3A_36 = arith.constant 0 : index
    %get3A_37 = vector.load %arg2[%get3A_35, %get3A_36] : memref<400x256xf32, #tpu.memory_space<vmem>>, vector<400x256xf32>
    %add3A_38 = arith.addf %div3A_34, %get3A_37 : vector<400x256xf32>
    %reduce_sum3A_39 = arith.constant dense<0.000000e+00> : vector<400xf32>
    %reduce_sum3A_40 = vector.multi_reduction <add>, %add3A_38, %reduce_sum3A_39 [1] : vector<400x256xf32> to vector<400xf32>
    %broadcast_in_dim3A_41 = vector.shape_cast %reduce_sum3A_40 : vector<400xf32> to vector<400x1xf32>
    %div3A_42 = arith.constant 2.560000e+02 : f32
    %div3A_43 = vector.broadcast %div3A_42 : f32 to vector<400x1xf32>
    %div3A_44 = arith.divf %broadcast_in_dim3A_41, %div3A_43 : vector<400x1xf32>
    %sub3A = vector.broadcast %div3A_44 : vector<400x1xf32> to vector<400x256xf32>
    %sub3A_45 = arith.subf %add3A_38, %sub3A : vector<400x256xf32>
    %sub3A_46 = vector.broadcast %div3A_44 : vector<400x1xf32> to vector<400x256xf32>
    %sub3A_47 = arith.subf %add3A_38, %sub3A_46 : vector<400x256xf32>
    %mul3A_48 = arith.mulf %sub3A_45, %sub3A_47 : vector<400x256xf32>
    %reduce_sum3A_49 = arith.constant dense<0.000000e+00> : vector<400xf32>
    %reduce_sum3A_50 = vector.multi_reduction <add>, %mul3A_48, %reduce_sum3A_49 [1] : vector<400x256xf32> to vector<400xf32>
    %broadcast_in_dim3A_51 = vector.shape_cast %reduce_sum3A_50 : vector<400xf32> to vector<400x1xf32>
    %div3A_52 = arith.constant 2.560000e+02 : f32
    %div3A_53 = vector.broadcast %div3A_52 : f32 to vector<400x1xf32>
    %div3A_54 = arith.divf %broadcast_in_dim3A_51, %div3A_53 : vector<400x1xf32>
    %sub3A_55 = vector.broadcast %div3A_44 : vector<400x1xf32> to vector<400x256xf32>
    %sub3A_56 = arith.subf %add3A_38, %sub3A_55 : vector<400x256xf32>
    %add3A_57 = arith.constant 9.99999974E-6 : f32
    %add3A_58 = vector.broadcast %add3A_57 : f32 to vector<400x1xf32>
    %add3A_59 = arith.addf %div3A_54, %add3A_58 : vector<400x1xf32>
    %rsqrt3A = math.rsqrt %add3A_59 : vector<400x1xf32>
    %mul3A_60 = vector.broadcast %rsqrt3A : vector<400x1xf32> to vector<400x256xf32>
    %mul3A_61 = arith.mulf %sub3A_56, %mul3A_60 : vector<400x256xf32>
    %get3A_62 = arith.constant 0 : index
    %get3A_63 = arith.constant 0 : index
    %get3A_64 = vector.load %arg8[%get3A_62, %get3A_63] : memref<1x256xf32, #tpu.memory_space<vmem>>, vector<1x256xf32>
    %mul3A_65 = vector.broadcast %get3A_64 : vector<1x256xf32> to vector<400x256xf32>
    %mul3A_66 = arith.mulf %mul3A_61, %mul3A_65 : vector<400x256xf32>
    %get3A_67 = arith.constant 0 : index
    %get3A_68 = arith.constant 0 : index
    %get3A_69 = vector.load %arg9[%get3A_67, %get3A_68] : memref<1x256xf32, #tpu.memory_space<vmem>>, vector<1x256xf32>
    %add3A_70 = vector.broadcast %get3A_69 : vector<1x256xf32> to vector<400x256xf32>
    %add3A_71 = arith.addf %mul3A_66, %add3A_70 : vector<400x256xf32>
    %mul3A_72 = arith.constant 5.000000e-01 : f32
    %mul3A_73 = vector.broadcast %mul3A_72 : f32 to vector<400x256xf32>
    %mul3A_74 = arith.mulf %mul3A_73, %add3A_71 : vector<400x256xf32>
    %mul3A_75 = arith.constant 0.707106769 : f32
    %mul3A_76 = vector.broadcast %mul3A_75 : f32 to vector<400x256xf32>
    %mul3A_77 = arith.mulf %add3A_71, %mul3A_76 : vector<400x256xf32>
    %erf3A = math.erf %mul3A_77 : vector<400x256xf32>
    %add3A_78 = arith.constant 1.000000e+00 : f32
    %add3A_79 = vector.broadcast %add3A_78 : f32 to vector<400x256xf32>
    %add3A_80 = arith.addf %add3A_79, %erf3A : vector<400x256xf32>
    %mul3A_81 = arith.mulf %mul3A_74, %add3A_80 : vector<400x256xf32>
    %swap3A = arith.constant 0 : index
    %swap3A_82 = arith.constant 0 : index
    %swap3A_83 = vector.load %arg10[%swap3A, %swap3A_82] : memref<400x256xf32, #tpu.memory_space<vmem>>, vector<400x256xf32>
    tpu.vector_store %arg10[%swap3A, %swap3A_82], %mul3A_81 {strides = array<i32>} : memref<400x256xf32, #tpu.memory_space<vmem>>, vector<400x256xf32>,
    return
  }
  func.func @transform_0(%arg0: i32) -> (i32, i32) {
    %c0_i32 = arith.constant 0 : i32
    %c0_i32_0 = arith.constant 0 : i32
    return %arg0, %c0_i32 : i32, i32
  }
  func.func @transform_1(%arg0: i32) -> (i32, i32) {
    %c0_i32 = arith.constant 0 : i32
    %c0_i32_0 = arith.constant 0 : i32
    return %arg0, %c0_i32 : i32, i32
  }
  func.func @transform_2(%arg0: i32) -> (i32, i32) {
    %c0_i32 = arith.constant 0 : i32
    %c0_i32_0 = arith.constant 0 : i32
    return %arg0, %c0_i32 : i32, i32
  }
  func.func @transform_3(%arg0: i32) -> (i32, i32) {
    %c0_i32 = arith.constant 0 : i32
    %c0_i32_0 = arith.constant 0 : i32
    return %arg0, %c0_i32 : i32, i32
  }
  func.func @transform_4(%arg0: i32) -> (i32, i32) {
    %c0_i32 = arith.constant 0 : i32
    %c0_i32_0 = arith.constant 0 : i32
    %c0_i32_1 = arith.constant 0 : i32
    return %c0_i32, %c0_i32_0 : i32, i32
  }
  func.func @transform_5(%arg0: i32) -> (i32, i32) {
    %c0_i32 = arith.constant 0 : i32
    %c0_i32_0 = arith.constant 0 : i32
    %c0_i32_1 = arith.constant 0 : i32
    return %c0_i32, %c0_i32_0 : i32, i32
  }
  func.func @transform_6(%arg0: i32) -> (i32, i32) {
    %c0_i32 = arith.constant 0 : i32
    %c0_i32_0 = arith.constant 0 : i32
    %c0_i32_1 = arith.constant 0 : i32
    return %c0_i32, %c0_i32_0 : i32, i32
  }
  func.func @transform_7(%arg0: i32) -> (i32, i32) {
    %c0_i32 = arith.constant 0 : i32
    %c0_i32_0 = arith.constant 0 : i32
    %c0_i32_1 = arith.constant 0 : i32
    return %c0_i32, %c0_i32_0 : i32, i32
  }
  func.func @transform_8(%arg0: i32) -> (i32, i32) {
    %c0_i32 = arith.constant 0 : i32
    %c0_i32_0 = arith.constant 0 : i32
    %c0_i32_1 = arith.constant 0 : i32
    return %c0_i32, %c0_i32_0 : i32, i32
  }
  func.func @transform_9(%arg0: i32) -> (i32, i32) {
    %c0_i32 = arith.constant 0 : i32
    %c0_i32_0 = arith.constant 0 : i32
    return %arg0, %c0_i32 : i32, i32
  }
}

</mosaic_0001>

<sc_bundles>
// kernel: kernel.5.cloned.1.call-start
scs
__scs_entry_jumppad:
0x0: {  	(pc) =	sbr.rel $0x88, $3  }
0x1: {  	(tag) =	ssettag $0x0;
	lr =	simm.s32 $0x1  }
0x2: {  	[smem:$0x3F9A] =	sst lr;
	_ =	strace $0xD0000000  }
0x3: {  	_ = 	snop  }
0x4: {  	_ = 	snop  }
0x5: {  	_ = 	snop  }
0x6: {  	_ = 	snop  }
0x7: {  	_ = 	snop  }
__scs_overlays_trampoline_lowered:
0x8: {  	[smem:$0x3FA9] =	sst s0  }
0x9: {  	[smem:$0x3FAA] =	sst s1  }
0xa: {  	[smem:$0x3FAB] =	sst s2  }
0xb: {  	[smem:$0x3FAC] =	sst s3  }
0xc: {  	[smem:$0x3FAD] =	sst s4  }
0xd: {  	[smem:$0x3FAE] =	sst s5  }
0xe: {  	[smem:$0x3FAF] =	sst s6  }
0xf: {  	[smem:$0x3FB0] =	sst s7  }
0x10: {  	[smem:$0x3FB1] =	sst s8  }
0x11: {  	[smem:$0x3FB2] =	sst s9;
	s0 =	simm.s32 @!p0 $0x0  }
0x12: {  	s1 =	sld [smem:$0x3F98];
	s0 =	simm.s32 @p0 $0x1  }
0x13: {  	[smem:$0x3FB3] =	sst s0;
	s0 =	simm.s32 @!p1 $0x0  }
0x14: {  	s2 =	sld [smem:$0x3F97];
	s0 =	simm.s32 @p1 $0x1  }
0x15: {  	[smem:$0x3FB4] =	sst s0;
	s0 =	simm.s32 @!p2 $0x0  }
0x16: {  	s3 =	sld [smem:$0x3FDB];
	s0 =	simm.s32 @p2 $0x1  }
0x17: {  	s4 =	simm.s32 $0x1BF5;
	[smem:$0x3FB6] =	sst s0  }
0x18: {  	s0 =	sld [smem:$0x3F99];
	_ =	swait.ge [sflag:s4], $0x0  }
0x19: {  	s7 =	sld [smem:$0x3F9A]  }
0x1a: {  	s8 =	sadd.s32 $0xFFFFE003, lr  }
0x1b: {  	s9 =	sadd.s32 $0xFFFFFEF7, lr;
	s5 =	simm.s32 $0xFFFFFFFF;
	p2 =	slt.u32 s8, $0xFFFFF086  }
0x1c: {  	p1 =	slt.u32 s9, $0xF7A;
	s5 =	simm.s32 @!p2 $0x0  }
0x1d: {  	s5 =	simm.s32 @p1 $0x1;
	p0 =	seq.s32 s7, s2  }
0x1e: {  	s7 =	smul.u32 @!p0 $0xF7A, s2;
	p2 =	seq.s32 @!p0 s5, $0x0  }
0x1f: {  	s9 =	smul.u32 $0xF7A, s1;
	s8 =	simm.s32 @!p0 $0x1BF5;
	p2 =	por !p2, p0  }
0x20: {  	[sflag:s8] =	ssyncset.s32 @!p0 $0xFFFFF086;
	s6 =	sadd.s32 @!p0 s3, s7;
	s7 =	simm.s32 @!p0 $0x108  }
0x21: {  	s3 =	sadd.s32 s3, s9;
	s6 =	sadd.s32 @!p0 $0x88, s6;
	s7 =	simm.s32 @p2 $0x1082  }
0x22: {  	[simem:s7], [sflag:s8] =	dma.local @!p0 [hbm:s6], $0xF7A  }
0x23: {  	s9 =	sor.u32 $0xD0000000, s2;
	s6 =	simm.s32 $0x108;
	_ =	swait.ge @!p0 [sflag:s8], $0x0  }
0x24: {  	s3 =	sadd.s32 $0x88, s3;
	s6 =	simm.s32 @!p1 $0x1082;
	[sflag:s4] =	ssyncset.s32 $0xFFFFF086  }
0x25: {  	[simem:s6], [sflag:s4] =	dma.local [hbm:s3], $0xF7A  }
0x26: {  	[smem:$0x3F9A] =	sst s1;
	(tag) =	ssettag s2;
	_ =	strace s9  }
0x27: {  	s1 =	sld [smem:$0x3FAA]  }
0x28: {  	s2 =	sld [smem:$0x3FAB]  }
0x29: {  	s4 =	sld [smem:$0x3FAD]  }
0x2a: {  	p0 =	seq.s32 s5, $0x0;
	s5 =	sld [smem:$0x3FAE]  }
0x2b: {  	s6 =	sld [smem:$0x3FAF]  }
0x2c: {  	s7 =	sld [smem:$0x3FB0]  }
0x2d: {  	s3 =	simm.s32 $0x108;
	s8 =	sld [smem:$0x3FB1]  }
0x2e: {  	s3 =	simm.s32 @!p0 $0x1082;
	s9 =	sld [smem:$0x3FB2]  }
0x2f: {  	lr =	sadd.s32 s0, s3;
	s0 =	sld [smem:$0x3FA9]  }
0x30: {  	s3 =	sld [smem:$0x3FAC]  }
0x31: {  	[smem:$0x3FB5] =	sst s10  }
0x32: {  	s10 =	sld [smem:$0x3FB3];
	_ =	sdelay $0x3  }
0x33: {  	p0 =	seq.s32 s10, $0x1;
	s10 =	sld [smem:$0x3FB5];
	_ =	sdelay $0x3  }
0x34: {  	[smem:$0x3FB5] =	sst s10  }
0x35: {  	s10 =	sld [smem:$0x3FB4];
	_ =	sdelay $0x3  }
0x36: {  	p1 =	seq.s32 s10, $0x1;
	s10 =	sld [smem:$0x3FB5];
	_ =	sdelay $0x3  }
0x37: {  	[smem:$0x3FB5] =	sst s10  }
0x38: {  	s10 =	sld [smem:$0x3FB6]  }
0x39: {  	_ = 	snop;
	(pc) =	sbr.ind lr, $3  }
0x3a: {  	_ = 	snop  }
0x3b: {  	_ = 	snop  }
0x3c: {  	p2 =	seq.s32 s10, $0x1;
	s10 =	sld [smem:$0x3FB5]  }
0x3d: {  	_ =	shalt  }
0x3e: {  	_ =	shalt  }
0x3f: {  	_ =	shalt  }
0x40: {  	_ =	shalt  }
0x41: {  	_ =	shalt  }
0x42: {  	_ =	shalt  }
0x43: {  	_ =	shalt  }
0x44: {  	_ =	shalt  }
0x45: {  	_ =	shalt  }
0x46: {  	_ =	shalt  }
0x47: {  	_ =	shalt  }
0x48: {  	_ =	shalt  }
0x49: {  	_ =	shalt  }
0x4a: {  	_ =	shalt  }
0x4b: {  	_ =	shalt  }
0x4c: {  	_ =	shalt  }
0x4d: {  	_ =	shalt  }
0x4e: {  	_ =	shalt  }
0x4f: {  	_ =	shalt  }
0x50: {  	_ =	shalt  }
0x51: {  	_ =	shalt  }
0x52: {  	_ =	shalt  }
0x53: {  	_ =	shalt  }
0x54: {  	_ =	shalt  }
0x55: {  	_ =	shalt  }
0x56: {  	_ =	shalt  }
0x57: {  	_ =	shalt  }
0x58: {  	_ =	shalt  }
0x59: {  	_ =	shalt  }
0x5a: {  	_ =	shalt  }
0x5b: {  	_ =	shalt  }
0x5c: {  	_ =	shalt  }
0x5d: {  	_ =	shalt  }
0x5e: {  	_ =	shalt  }
0x5f: {  	_ =	shalt  }
0x60: {  	_ =	shalt  }
0x61: {  	_ =	shalt  }
0x62: {  	_ =	shalt  }
0x63: {  	_ =	shalt  }
0x64: {  	_ =	shalt  }
0x65: {  	_ =	shalt  }
0x66: {  	_ =	shalt  }
0x67: {  	_ =	shalt  }
0x68: {  	_ =	shalt  }
0x69: {  	_ =	shalt  }
0x6a: {  	_ =	shalt  }
0x6b: {  	_ =	shalt  }
0x6c: {  	_ =	shalt  }
0x6d: {  	_ =	shalt  }
0x6e: {  	_ =	shalt  }
0x6f: {  	_ =	shalt  }
0x70: {  	_ =	shalt  }
0x71: {  	_ =	shalt  }
0x72: {  	_ =	shalt  }
0x73: {  	_ =	shalt  }
0x74: {  	_ =	shalt  }
0x75: {  	_ =	shalt  }
0x76: {  	_ =	shalt  }
0x77: {  	_ =	shalt  }
0x78: {  	_ =	shalt  }
0x79: {  	_ =	shalt  }
0x7a: {  	_ =	shalt  }
0x7b: {  	_ =	shalt  }
0x7c: {  	_ =	shalt  }
0x7d: {  	_ =	shalt  }
0x7e: {  	_ =	shalt  }
0x7f: {  	_ =	shalt  }
0x80: {  	_ =	shalt  }
0x81: {  	_ =	shalt  }
0x82: {  	_ =	shalt  }
0x83: {  	_ =	shalt  }
0x84: {  	_ =	shalt  }
0x85: {  	_ =	shalt  }
0x86: {  	_ =	shalt  }
0x87: {  	_ =	shalt  }
.Lfunc_end0:
.L_simem_size_0:
called_computation_lowered:
.L_overlay_start_0:
0x88: {  	s2 =	sld [smem:$0x3FD9]  }
0x89: {  	s3 =	sld [smem:$0x3FFE];
	_ =	sdelay $0x1  }
0x8a: {  	s1 =	srdreg.scid  }
0x8b: {  	s0 =	sand.u32 $0x1, s1  }
0x8c: {  	s17 =	sshll.u32 s0, $0xA;
	s2 =	sadd.s32 s3, s2  }
0x8d: {  	s2 =	sadd.s32 s2, s17  }
0x8e: {  	[smem:$0x3FC1] =	sst s2  }
0x8f: {  	_ = 	snop  }
0x90: {  	s2 =	sld [smem:$0x3FD0];
	(tm) =	ssettm $0x1  }
0x91: {  	s18 =	sld [smem:$0x3FFB];
	_ =	sdelay $0x3  }
0x92: {  	_ =	strace s18  }
0x93: {  	s3 =	sld [smem:$0x3FFC];
	_ =	sdelay $0x3  }
0x94: {  	_ =	strace s3  }
0x95: {  	s3 =	sld [smem:$0x3FFD];
	_ =	sdelay $0x3  }
0x96: {  	_ =	strace s3  }
0x97: {  	_ =	strace $0x8FFFFFFF  }
0x98: {  	s19 =	sld [smem:$0x3FDB];
	_ =	sdelay $0x1  }
0x99: {  	s4 =	simm.s32 $_scs_section_size  }
0x9a: {  	s5 =	simm.s32 $_size__tile_overlayer_lowered;
	s6 =	simm.s32 $_tile_overlayer_lowered  }
0x9b: {  	s22 =	simm.s32 $0x1BFF;
	s21 =	sshll.u32 s6, $0x1;
	s3 =	sadd.s32 s4, s19  }
0x9c: {  	s7 =	simm.s32 $0x0;
	s20 =	sshll.u32 s5, $0x1;
	s5 =	sadd.s32 s21, s3  }
0x9d: {  	[timem:s7], [sflag:s22] =	dma.local [hbm:s5], s20  }
0x9e: {  	_ =	swait.ge [sflag:s22], s20  }
0x9f: {  	s4 =	ssub.s32 $0x0, s20;
	[sflag:s22] =	ssyncset.done $0x0  }
0xa0: {  	[sflag:s22] =	ssyncadd.s32 s4;
	_ =	sdelay $0x1  }
0xa1: {  	s23 =	simm.s32 $0x1B8B  }
0xa2: {  	_ =	swait.ge [sflag:s23], $0x1  }
0xa3: {  	[sflag:s23] =	ssyncset.done $0x0  }
0xa4: {  	s25 =	simm.s32 $0x1B8E;
	s24 =	sld [smem:$0x3FFE];
	[sflag:s23] =	ssyncadd.s32 $0xFFFFFFFF  }
0xa5: {  	s26 =	simm.s32 $execute0_lowered;
	[smem:$0x3FD2] =	sst s25  }
0xa6: {  	s5 =	sshll.u32 s26, $0x1;
	_ =	strace $0x80000046;
	[dreg:$0x1] =	wrdreg $0xFFFFFFFF  }
0xa7: {  	s28 =	simm.s32 $_size_execute0_lowered;
	s3 =	sadd.s32 s3, s5;
	[dreg:$0x0] =	wrdreg $0x0  }
0xa8: {  	s5 =	sshll.u32 s28, $0x1;
	[dreg:$0x2] =	wrdreg s3  }
0xa9: {  	[dreg:$0x3] =	wrdreg s5  }
0xaa: {  	[dreg:$0x4] =	wrdreg $0xC0  }
0xab: {  	_ =	task [dreg:s7], $0x5FFFF  }
0xac: {  	[dreg:$0x1] =	wrdreg $0xFFFFFFFF  }
0xad: {  	[dreg:$0x0] =	wrdreg $0x60  }
0xae: {  	[dreg:$0x2] =	wrdreg s2  }
0xaf: {  	[dreg:$0x3] =	wrdreg s24  }
0xb0: {  	[dreg:$0x4] =	wrdreg $0x0  }
0xb1: {  	[dreg:$0x5] =	wrdreg $0x9  }
0xb2: {  	_ =	task.clear_ibuf [dreg:s7], $0x6FFFF;
	_ =	strace $0x90000046  }
0xb3: {  	s29 =	simm.s32 $0x9;
	_ =	strace $0x80000048  }
0xb4: {  	_ =	swait.ge [sflag:s29], $0x1  }
0xb5: {  	[sflag:s29] =	ssyncadd.s32 $0xFFFFFFFF  }
0xb6: {  	_ =	strace $0x90000048  }
0xb7: {  	_ =	sfence  }
0xb8: {  	s30 =	sld [smem:$0x0];
	_ =	sdelay $0x2  }
0xb9: {  	s31 =	sshll.u32 s1, $0xD;
	s1 =	sshrl.u32 s1, $0x2  }
0xba: {  	s3 =	sand.u32 $0x4000, s31;
	s1 =	sadd.s32 s1, s30  }
0xbb: {  	s0 =	sor.u32 s3, s0;
	s1 =	sshll.u32 s1, $0x11  }
0xbc: {  	s0 =	sor.u32 s1, s0  }
0xbd: {  	s0 =	sadd.s32 $0x8F2B, s0  }
0xbe: {  	[sflag:s0] =	ssyncadd.remote.s32 $0x1  }
0xbf: {  	_ =	sfence.sel $0xFFFF  }
0xc0: {  	[dreg:$0x0] =	wrdreg $0xFFFFFFFF;
	(pc) =	sbr.abs _section_cstart, $3  }
0xc1: {  	[dreg:$0x1] =	wrdreg $0xFFFFFFFF  }
0xc2: {  	_ =	task.clear_ibuf [dreg:s7], $0x2FFFF;
	_ =	strace $0x9FFFFFFF  }
0xc3: {  	(tm) =	ssettm $0x7FFFFFFF  }
tec
execute0_lowered:
.L_overlay_start_1:
0x0: {  	(tag) =	ssettag $0x1  }
0x1: {  	s2 =	rddreg [dreg:$0x0]  }
0x2: {  	s0 =	rddreg [dreg:$0x1]  }
0x3: {  	s3 =	rddreg [dreg:$0x2]  }
0x4: {  	s12 =	stileid.u32;
	s1 =	srdreg.scid;
	s4 =	simm.s32 $0x0  }
0x5: {  	s17 =	simm.s32 $0x5;
	s18 =	simm.s32 $0x13C00;
	s19 =	simm.s32 $0x13D00  }
0x6: {  	s20 =	simm.s32 $0x80;
	s21 =	simm.s32 $0x13E00;
	s28 =	simm.s32 $0x3  }
0x7: {  	s29 =	simm.s32 $0x4;
	s1 =	sand.u32 $0x1, s1;
	s6 =	smul.u32 $0x27800, s12  }
0x8: {  	[smem:$0x7FF] =	sst s4;
	s7 =	smul.u32 $0x2780, s12;
	s5 =	sadd.s32 $0x1A00, s0  }
0x9: {  	s11 =	smul.u32 $0x4F000, s12;
	s25 =	sshll.u32 s12, $0x6;
	s8 =	sshll.u32 s1, $0xA  }
0xa: {  	_ =	strace $0x80000047;
	s9 =	ssub.s32 $0x2, s1;
	s10 =	sshll.u32 s1, $0x4  }
0xb: {  	s1 =	smul.u32 $0x5000, s1;
	s8 =	sor.u32 s8, s6;
	s6 =	sadd.s32 $0xBA00, s0  }
0xc: {  	s7 =	sadd.s32 s7, s0;
	s22 =	sshrl.u32 s9, $0x1;
	s10 =	sor.u32 s12, s10  }
0xd: {  	s23 =	sshrl.u32 s11, $0x2;
	s8 =	sshrl.u32 s8, $0x3;
	s15 =	ssub.s32 s9, s22  }
0xe: {  	s24 =	smul.u32 $0x500, s10;
	s16 =	sadd.s32 s23, s3;
	s7 =	sadd.s32 $0x10A00, s7  }
0xf: {  	s10 =	sor.u32 $0x1C05, s25;
	s22 =	simm.s32 $0x13C80;
	s23 =	simm.s32 $0x13D80  }
0x10: {  	s25 =	simm.s32 $0x1;
	s0 =	sadd.s32 s8, s0;
	[dreg:$0x5] =	wrdreg s7  }
0x11: {  	s8 =	smul.u32 $0x500, s12;
	s15 =	smax.u32 s15, $0x1;
	s9 =	sadd.s32 s5, s24  }
0x12: {  	s16 =	sshrl.u32 s16, $0x3;
	s14 =	sadd.s32 $0x38200, s0;
	s26 =	sadd.s32 $0x10, s9  }
0x13: {  	s11 =	sadd.s32 s6, s8;
	s31 =	sadd.s32 s8, s1;
	[dreg:$0x6] =	wrdreg s26  }
0x14: {  	s24 =	simm.s32 $0x17E00;
	s30 =	sadd.s32 $0x10, s11;
	[dreg:$0x4] =	wrdreg s31  }
0x15: {  	s0 =	simm.s32 $0x0;
	s26 =	simm.s32 $0x2;
	[dreg:$0x7] =	wrdreg s30  }
.LBB2_1:
0x16: {  	s1 =	rddreg [dreg:$0x5]  }
0x17: {  	[spmem:s16], [sflag:s10] =	dma.local [hbm:s1], $0x2780  }
0x18: {  	_ =	swait.ge [sflag:s17], $0x2780  }
0x19: {  	[sflag:s17] =	ssyncset.done $0x0  }
0x1a: {  	[sflag:s17] =	ssyncadd.s32 $0xFFFFD880  }
0x1b: {  	[bflag:$0x0] =	sbarrier.arrive $0xFFFF  }
0x1c: {  	[tilespmem:s18], [sflag:$0x5] =	stream.linear.gather [hbm4b:s9+s4], $0x80, $0x38;
	[tilespmem:$0x1BE00] =	vst v63  }
0x1d: {  	_ =	swait.ge [sflag:s17], $0x80  }
0x1e: {  	[sflag:s17] =	ssyncset.done $0x0  }
0x1f: {  	[sflag:s17] =	ssyncadd.s32 $0xFFFFFF80  }
0x20: {  	[tilespmem:s19], [sflag:$0x5] =	stream.linear.gather [hbm4b:s11+s4], $0x80, $0x38;
	[tilespmem:$0x1BE00] =	vst v63  }
0x21: {  	_ =	swait.ge [sflag:s17], $0x80  }
0x22: {  	[sflag:s17] =	ssyncset.done $0x0  }
0x23: {  	[sflag:s17] =	ssyncadd.s32 $0xFFFFFF80  }
0x24: {  	[tilespmem:s21], [sflag:$0x1] =	stream.indirect.gather [hbm4b:s2+s20], $0x80, s18, s20, $0xb8;
	[tilespmem:$0x1BE00] =	vst v63  }
0x25: {  	s31 =	rddreg [dreg:$0x6]  }
0x26: {  	[tilespmem:s22], [sflag:$0x5] =	stream.linear.gather [hbm4b:s31+s4], $0x80, $0x38;
	[tilespmem:$0x1BE00] =	vst v63  }
0x27: {  	_ =	swait.ge [sflag:s17], $0x80  }
0x28: {  	[sflag:s17] =	ssyncset.done $0x0  }
0x29: {  	s7 =	rddreg [dreg:$0x7];
	[sflag:s17] =	ssyncadd.s32 $0xFFFFFF80  }
0x2a: {  	[tilespmem:s23], [sflag:$0x5] =	stream.linear.gather [hbm4b:s7+s4], $0x80, $0x38;
	[tilespmem:$0x1BE00] =	vst v63  }
0x2b: {  	_ =	swait.ge [sflag:s17], $0x80  }
0x2c: {  	[sflag:s17] =	ssyncset.done $0x0  }
0x2d: {  	[sflag:s17] =	ssyncadd.s32 $0xFFFFFF80  }
0x2e: {  	[tilespmem:s24], [sflag:$0x2] =	stream.indirect.gather [hbm4b:s2+s20], $0x80, s22, s20, $0xb8;
	[tilespmem:$0x1BE00] =	vst v63  }
0x2f: {  	_ =	swait.ge [sflag:s25], $0x4000  }
0x30: {  	[sflag:s25] =	ssyncset.done $0x0  }
0x31: {  	[sflag:s25] =	ssyncadd.s32 $0xFFFFC000  }
0x32: {  	[spmem:s3] =	stream.indirect.scatter.add.f32 [tilespmem:s21], [sflag:$0x3], $0x80, s19, s20, $0xb8;
	[tilespmem:$0x1BE00] =	vst v63  }
0x33: {  	_ =	swait.ge [sflag:s26], $0x4000  }
0x34: {  	[sflag:s26] =	ssyncset.done $0x0  }
0x35: {  	[sflag:s26] =	ssyncadd.s32 $0xFFFFC000  }
0x36: {  	[spmem:s3] =	stream.indirect.scatter.add.f32 [tilespmem:s24], [sflag:$0x4], $0x80, s23, s20, $0xb8;
	[tilespmem:$0x1BE00] =	vst v63  }
0x37: {  	_ =	swait.ge [sflag:s28], $0x4000  }
0x38: {  	s12 =	rddreg [dreg:$0x4]  }
0x39: {  	s30 =	simm.s32 $0x20;
	s1 =	sadd.s32 $0x30, s12  }
0x3a: {  	s30 =	sand.u32 $0x60, s30;
	s31 =	sadd.s32 $0xFFFFFFF0, s1  }
0x3b: {  	s7 =	sadd.s32 s5, s30;
	[sflag:s28] =	ssyncset.done $0x0;
	s31 =	sand.u32 $0xFFFFF80, s31  }
0x3c: {  	[sflag:s28] =	ssyncadd.s32 $0xFFFFC000;
	s7 =	sadd.s32 s31, s7;
	s31 =	sadd.s32 $0x30, s8  }
0x3d: {  	[tilespmem:s18], [sflag:$0x5] =	stream.linear.gather [hbm4b:s7+s4], $0x80, $0x38;
	[tilespmem:$0x1BE00] =	vst v63  }
0x3e: {  	s13 =	sadd.s32 $0xFFFFFFF0, s31;
	_ =	swait.ge [sflag:s17], $0x80  }
0x3f: {  	s30 =	sadd.s32 s6, s30;
	s7 =	sand.u32 $0xFF80, s13;
	[sflag:s17] =	ssyncset.done $0x0  }
0x40: {  	s7 =	sadd.s32 s7, s30;
	[sflag:s17] =	ssyncadd.s32 $0xFFFFFF80  }
0x41: {  	[tilespmem:s19], [sflag:$0x5] =	stream.linear.gather [hbm4b:s7+s4], $0x80, $0x38;
	[tilespmem:$0x1BE00] =	vst v63  }
0x42: {  	_ =	swait.ge [sflag:s17], $0x80  }
0x43: {  	[sflag:s17] =	ssyncset.done $0x0  }
0x44: {  	s12 =	simm.s32 $0x30;
	[sflag:s17] =	ssyncadd.s32 $0xFFFFFF80  }
0x45: {  	[tilespmem:s21], [sflag:$0x1] =	stream.indirect.gather [hbm4b:s2+s20], $0x80, s18, s20, $0xb8;
	[tilespmem:$0x1BE00] =	vst v63  }
0x46: {  	s7 =	sand.u32 $0x70, s12;
	_ =	swait.ge [sflag:s29], $0x4000  }
0x47: {  	s1 =	sand.u32 $0xFFFFF80, s1;
	s13 =	sadd.s32 s5, s7;
	[sflag:s29] =	ssyncset.done $0x0  }
0x48: {  	s1 =	sadd.s32 s1, s13;
	[sflag:s29] =	ssyncadd.s32 $0xFFFFC000  }
0x49: {  	[tilespmem:s22], [sflag:$0x5] =	stream.linear.gather [hbm4b:s1+s4], $0x80, $0x38;
	[tilespmem:$0x1BE00] =	vst v63  }
0x4a: {  	_ =	swait.ge [sflag:s17], $0x80  }
0x4b: {  	s31 =	sand.u32 $0xFF80, s31;
	s7 =	sadd.s32 s6, s7;
	[sflag:s17] =	ssyncset.done $0x0  }
0x4c: {  	s1 =	sadd.s32 s31, s7;
	[sflag:s17] =	ssyncadd.s32 $0xFFFFFF80  }
0x4d: {  	[tilespmem:s23], [sflag:$0x5] =	stream.linear.gather [hbm4b:s1+s4], $0x80, $0x38;
	[tilespmem:$0x1BE00] =	vst v63  }
0x4e: {  	_ =	swait.ge [sflag:s17], $0x80  }
0x4f: {  	[sflag:s17] =	ssyncset.done $0x0  }
0x50: {  	s1 =	simm.s32 $0x50;
	[sflag:s17] =	ssyncadd.s32 $0xFFFFFF80  }
.LBB2_2:
0x51: {  	[tilespmem:s24], [sflag:$0x2] =	stream.indirect.gather [hbm4b:s2+s20], $0x80, s22, s20, $0xb8;
	[tilespmem:$0x1BE00] =	vst v63  }
0x52: {  	_ =	swait.ge [sflag:s25], $0x4000  }
0x53: {  	[sflag:s25] =	ssyncset.done $0x0  }
0x54: {  	[sflag:s25] =	ssyncadd.s32 $0xFFFFC000  }
0x55: {  	[spmem:s3] =	stream.indirect.scatter.add.f32 [tilespmem:s21], [sflag:$0x3], $0x80, s19, s20, $0xb8;
	[tilespmem:$0x1BE00] =	vst v63  }
0x56: {  	_ =	swait.ge [sflag:s26], $0x4000  }
0x57: {  	[sflag:s26] =	ssyncset.done $0x0  }
0x58: {  	[sflag:s26] =	ssyncadd.s32 $0xFFFFC000  }
0x59: {  	[spmem:s3] =	stream.indirect.scatter.add.f32 [tilespmem:s24], [sflag:$0x4], $0x80, s23, s20, $0xb8;
	[tilespmem:$0x1BE00] =	vst v63  }
0x5a: {  	_ =	swait.ge [sflag:s28], $0x4000  }
0x5b: {  	s30 =	smov.u32 s1;
	s7 =	rddreg [dreg:$0x4]  }
0x5c: {  	s31 =	sadd.s32 $0xFFFFFFF0, s30;
	s7 =	sadd.s32 s30, s7  }
0x5d: {  	s31 =	sand.u32 $0x60, s31;
	s12 =	sadd.s32 $0xFFFFFFF0, s7  }
0x5e: {  	s13 =	sadd.s32 s5, s31;
	[sflag:s28] =	ssyncset.done $0x0;
	s12 =	sand.u32 $0xFFFFF80, s12  }
0x5f: {  	[sflag:s28] =	ssyncadd.s32 $0xFFFFC000;
	s12 =	sadd.s32 s12, s13;
	s13 =	sadd.s32 s30, s8  }
0x60: {  	[tilespmem:s18], [sflag:$0x5] =	stream.linear.gather [hbm4b:s12+s4], $0x80, $0x38;
	[tilespmem:$0x1BE00] =	vst v63  }
0x61: {  	s12 =	sadd.s32 $0xFFFFFFF0, s13;
	_ =	swait.ge [sflag:s17], $0x80  }
0x62: {  	s31 =	sadd.s32 s6, s31;
	s12 =	sand.u32 $0xFF80, s12;
	[sflag:s17] =	ssyncset.done $0x0  }
0x63: {  	s12 =	sadd.s32 s12, s31;
	[sflag:s17] =	ssyncadd.s32 $0xFFFFFF80  }
0x64: {  	[tilespmem:s19], [sflag:$0x5] =	stream.linear.gather [hbm4b:s12+s4], $0x80, $0x38;
	[tilespmem:$0x1BE00] =	vst v63  }
0x65: {  	_ =	swait.ge [sflag:s17], $0x80  }
0x66: {  	[sflag:s17] =	ssyncset.done $0x0  }
0x67: {  	[sflag:s17] =	ssyncadd.s32 $0xFFFFFF80  }
0x68: {  	[tilespmem:s21], [sflag:$0x1] =	stream.indirect.gather [hbm4b:s2+s20], $0x80, s18, s20, $0xb8;
	[tilespmem:$0x1BE00] =	vst v63  }
0x69: {  	s31 =	sand.u32 $0x70, s30;
	_ =	swait.ge [sflag:s29], $0x4000  }
0x6a: {  	s7 =	sand.u32 $0xFFFFF80, s7;
	s30 =	sadd.s32 s5, s31;
	[sflag:s29] =	ssyncset.done $0x0  }
0x6b: {  	s7 =	sadd.s32 s7, s30;
	[sflag:s29] =	ssyncadd.s32 $0xFFFFC000  }
0x6c: {  	[tilespmem:s22], [sflag:$0x5] =	stream.linear.gather [hbm4b:s7+s4], $0x80, $0x38;
	[tilespmem:$0x1BE00] =	vst v63  }
0x6d: {  	p0 =	sne.s32 s1, $0x4F0;
	_ =	swait.ge [sflag:s17], $0x80  }
0x6e: {  	s13 =	sand.u32 $0xFF80, s13;
	s12 =	sadd.s32 s6, s31;
	[sflag:s17] =	ssyncset.done $0x0  }
.Ltmp0:
0x6f: {  	s12 =	sadd.s32 s13, s12;
	[sflag:s17] =	ssyncadd.s32 $0xFFFFFF80;
	(pc) =	sbr.rel @p0 .LBB2_2-.Ltmp0, $4  }
0x70: {  	[tilespmem:s23], [sflag:$0x5] =	stream.linear.gather [hbm4b:s12+s4], $0x80, $0x38;
	[tilespmem:$0x1BE00] =	vst v63  }
0x71: {  	_ =	swait.ge [sflag:s17], $0x80  }
0x72: {  	[sflag:s17] =	ssyncset.done $0x0  }
0x73: {  	s1 =	sadd.s32 $0x20, s1;
	[sflag:s17] =	ssyncadd.s32 $0xFFFFFF80  }
0x74: {  	[tilespmem:s24], [sflag:$0x2] =	stream.indirect.gather [hbm4b:s2+s20], $0x80, s22, s20, $0xb8;
	[tilespmem:$0x1BE00] =	vst v63  }
0x75: {  	_ =	swait.ge [sflag:s25], $0x4000  }
0x76: {  	[sflag:s25] =	ssyncset.done $0x0  }
0x77: {  	[sflag:s25] =	ssyncadd.s32 $0xFFFFC000  }
0x78: {  	[spmem:s3] =	stream.indirect.scatter.add.f32 [tilespmem:s21], [sflag:$0x3], $0x80, s19, s20, $0xb8;
	[tilespmem:$0x1BE00] =	vst v63  }
0x79: {  	_ =	swait.ge [sflag:s26], $0x4000  }
0x7a: {  	[sflag:s26] =	ssyncset.done $0x0  }
0x7b: {  	[sflag:s26] =	ssyncadd.s32 $0xFFFFC000  }
0x7c: {  	[spmem:s3] =	stream.indirect.scatter.add.f32 [tilespmem:s24], [sflag:$0x4], $0x80, s23, s20, $0xb8;
	[tilespmem:$0x1BE00] =	vst v63  }
0x7d: {  	_ =	swait.ge [sflag:s28], $0x4000  }
0x7e: {  	[sflag:s28] =	ssyncset.done $0x0  }
0x7f: {  	[sflag:s28] =	ssyncadd.s32 $0xFFFFC000  }
0x80: {  	_ =	swait.ge [sflag:s29], $0x4000  }
0x81: {  	s0 =	sadd.s32 $0x1, s0;
	[sflag:s29] =	ssyncset.done $0x0  }
0x82: {  	s1 =	simm.s32 $0x8;
	p0 =	sne.s32 s0, s15;
	[sflag:s29] =	ssyncadd.s32 $0xFFFFC000  }
.Ltmp1:
0x83: {  	s7 =	simm.s32 $0x100;
	[bflag:$0x0] =	sbarrier.arrive $0xFFFF;
	(pc) =	sbr.rel @p0 .LBB2_1-.Ltmp1, $4  }
0x84: {  	[hbm:s14@s7], [sflag:s10] =	dma.strided [spmem:s16@s20], $0x2780, s1, $0x10   }
0x85: {  	_ =	swait.ge [sflag:s17], $0x2780  }
0x86: {  	[sflag:s17] =	ssyncset.done $0x0  }
0x87: {  	[sflag:s17] =	ssyncadd.s32 $0xFFFFD880  }
0x88: {  	_ =	sfence.sel $0x180000  }
0x89: {  	[bflag:$0x0] =	sbarrier.arrive $0xFFFF  }
0x8a: {  	_ =	strace $0x90000047  }
0x8b: {  	s0 =	stileid.u32;
	[bflag:$0x2] =	sbarrier.arrive $0xFFFF  }
0x8c: {  	p0 =	sne.s32 s0, $0x0;
	s0 =	rddreg [dreg:$0x3]  }
0x8d: {  	s0 =	sadd.s32 @!p0 $0x100000, s0  }
0x8e: {  	[sflag:s0] =	ssyncadd.tile.s32 @!p0 $0x1;
	_ =	shalt  }
.Lfunc_end2:
_tile_overlayer_lowered:
.L_overlay_start_2:
0x8f: {  	(tag) =	ssettag $0x2  }
0x90: {  	s0 =	rddreg [dreg:$0x0];
	s2 =	stileid.u32  }
0x91: {  	s1 =	rddreg [dreg:$0x1];
	p0 =	sne.s32 s2, $0x0  }
0x92: {  	s3 =	rddreg [dreg:$0x2];
	[bflag:$0x3] =	sbarrier.arrive $0xFFFF;
	s2 =	simm.s32 @!p0 $0x1C05  }
0x93: {  	[timem:s3], [sflag:s2] =	dma.local @!p0 [hbm:s0], s1  }
0x94: {  	s0 =	simm.s32 @!p0 $0x5  }
0x95: {  	_ =	swait.ge @!p0 [sflag:s0], s1  }
0x96: {  	s1 =	ssub.s32 @!p0 $0x0, s1;
	[sflag:s0] =	ssyncset.done @!p0 $0x0  }
0x97: {  	[sflag:s0] =	ssyncadd.s32 @!p0 s1  }
0x98: {  	[bflag:$0x3] =	sbarrier.arrive $0xFFFF  }
0x99: {  	_ =	shalt  }

// kernel: kernel.8.cloned.1.call-start
scs
__scs_entry_jumppad:
0x0: {  	(pc) =	sbr.rel $0x88, $3  }
0x1: {  	(tag) =	ssettag $0x0;
	lr =	simm.s32 $0x1  }
0x2: {  	[smem:$0x3F9A] =	sst lr;
	_ =	strace $0xD0000000  }
0x3: {  	_ = 	snop  }
0x4: {  	_ = 	snop  }
0x5: {  	_ = 	snop  }
0x6: {  	_ = 	snop  }
0x7: {  	_ = 	snop  }
__scs_overlays_trampoline_lowered:
0x8: {  	[smem:$0x3FA9] =	sst s0  }
0x9: {  	[smem:$0x3FAA] =	sst s1  }
0xa: {  	[smem:$0x3FAB] =	sst s2  }
0xb: {  	[smem:$0x3FAC] =	sst s3  }
0xc: {  	[smem:$0x3FAD] =	sst s4  }
0xd: {  	[smem:$0x3FAE] =	sst s5  }
0xe: {  	[smem:$0x3FAF] =	sst s6  }
0xf: {  	[smem:$0x3FB0] =	sst s7  }
0x10: {  	[smem:$0x3FB1] =	sst s8  }
0x11: {  	[smem:$0x3FB2] =	sst s9;
	s0 =	simm.s32 @!p0 $0x0  }
0x12: {  	s1 =	sld [smem:$0x3F98];
	s0 =	simm.s32 @p0 $0x1  }
0x13: {  	[smem:$0x3FB3] =	sst s0;
	s0 =	simm.s32 @!p1 $0x0  }
0x14: {  	s2 =	sld [smem:$0x3F97];
	s0 =	simm.s32 @p1 $0x1  }
0x15: {  	[smem:$0x3FB4] =	sst s0;
	s0 =	simm.s32 @!p2 $0x0  }
0x16: {  	s3 =	sld [smem:$0x3FDB];
	s0 =	simm.s32 @p2 $0x1  }
0x17: {  	s4 =	simm.s32 $0x1BF5;
	[smem:$0x3FB6] =	sst s0  }
0x18: {  	s0 =	sld [smem:$0x3F99];
	_ =	swait.ge [sflag:s4], $0x0  }
0x19: {  	s7 =	sld [smem:$0x3F9A]  }
0x1a: {  	s8 =	sadd.s32 $0xFFFFE003, lr  }
0x1b: {  	s9 =	sadd.s32 $0xFFFFFEF7, lr;
	s5 =	simm.s32 $0xFFFFFFFF;
	p2 =	slt.u32 s8, $0xFFFFF086  }
0x1c: {  	p1 =	slt.u32 s9, $0xF7A;
	s5 =	simm.s32 @!p2 $0x0  }
0x1d: {  	s5 =	simm.s32 @p1 $0x1;
	p0 =	seq.s32 s7, s2  }
0x1e: {  	s7 =	smul.u32 @!p0 $0xF7A, s2;
	p2 =	seq.s32 @!p0 s5, $0x0  }
0x1f: {  	s9 =	smul.u32 $0xF7A, s1;
	s8 =	simm.s32 @!p0 $0x1BF5;
	p2 =	por !p2, p0  }
0x20: {  	[sflag:s8] =	ssyncset.s32 @!p0 $0xFFFFF086;
	s6 =	sadd.s32 @!p0 s3, s7;
	s7 =	simm.s32 @!p0 $0x108  }
0x21: {  	s3 =	sadd.s32 s3, s9;
	s6 =	sadd.s32 @!p0 $0x88, s6;
	s7 =	simm.s32 @p2 $0x1082  }
0x22: {  	[simem:s7], [sflag:s8] =	dma.local @!p0 [hbm:s6], $0xF7A  }
0x23: {  	s9 =	sor.u32 $0xD0000000, s2;
	s6 =	simm.s32 $0x108;
	_ =	swait.ge @!p0 [sflag:s8], $0x0  }
0x24: {  	s3 =	sadd.s32 $0x88, s3;
	s6 =	simm.s32 @!p1 $0x1082;
	[sflag:s4] =	ssyncset.s32 $0xFFFFF086  }
0x25: {  	[simem:s6], [sflag:s4] =	dma.local [hbm:s3], $0xF7A  }
0x26: {  	[smem:$0x3F9A] =	sst s1;
	(tag) =	ssettag s2;
	_ =	strace s9  }
0x27: {  	s1 =	sld [smem:$0x3FAA]  }
0x28: {  	s2 =	sld [smem:$0x3FAB]  }
0x29: {  	s4 =	sld [smem:$0x3FAD]  }
0x2a: {  	p0 =	seq.s32 s5, $0x0;
	s5 =	sld [smem:$0x3FAE]  }
0x2b: {  	s6 =	sld [smem:$0x3FAF]  }
0x2c: {  	s7 =	sld [smem:$0x3FB0]  }
0x2d: {  	s3 =	simm.s32 $0x108;
	s8 =	sld [smem:$0x3FB1]  }
0x2e: {  	s3 =	simm.s32 @!p0 $0x1082;
	s9 =	sld [smem:$0x3FB2]  }
0x2f: {  	lr =	sadd.s32 s0, s3;
	s0 =	sld [smem:$0x3FA9]  }
0x30: {  	s3 =	sld [smem:$0x3FAC]  }
0x31: {  	[smem:$0x3FB5] =	sst s10  }
0x32: {  	s10 =	sld [smem:$0x3FB3];
	_ =	sdelay $0x3  }
0x33: {  	p0 =	seq.s32 s10, $0x1;
	s10 =	sld [smem:$0x3FB5];
	_ =	sdelay $0x3  }
0x34: {  	[smem:$0x3FB5] =	sst s10  }
0x35: {  	s10 =	sld [smem:$0x3FB4];
	_ =	sdelay $0x3  }
0x36: {  	p1 =	seq.s32 s10, $0x1;
	s10 =	sld [smem:$0x3FB5];
	_ =	sdelay $0x3  }
0x37: {  	[smem:$0x3FB5] =	sst s10  }
0x38: {  	s10 =	sld [smem:$0x3FB6]  }
0x39: {  	_ = 	snop;
	(pc) =	sbr.ind lr, $3  }
0x3a: {  	_ = 	snop  }
0x3b: {  	_ = 	snop  }
0x3c: {  	p2 =	seq.s32 s10, $0x1;
	s10 =	sld [smem:$0x3FB5]  }
0x3d: {  	_ =	shalt  }
0x3e: {  	_ =	shalt  }
0x3f: {  	_ =	shalt  }
0x40: {  	_ =	shalt  }
0x41: {  	_ =	shalt  }
0x42: {  	_ =	shalt  }
0x43: {  	_ =	shalt  }
0x44: {  	_ =	shalt  }
0x45: {  	_ =	shalt  }
0x46: {  	_ =	shalt  }
0x47: {  	_ =	shalt  }
0x48: {  	_ =	shalt  }
0x49: {  	_ =	shalt  }
0x4a: {  	_ =	shalt  }
0x4b: {  	_ =	shalt  }
0x4c: {  	_ =	shalt  }
0x4d: {  	_ =	shalt  }
0x4e: {  	_ =	shalt  }
0x4f: {  	_ =	shalt  }
0x50: {  	_ =	shalt  }
0x51: {  	_ =	shalt  }
0x52: {  	_ =	shalt  }
0x53: {  	_ =	shalt  }
0x54: {  	_ =	shalt  }
0x55: {  	_ =	shalt  }
0x56: {  	_ =	shalt  }
0x57: {  	_ =	shalt  }
0x58: {  	_ =	shalt  }
0x59: {  	_ =	shalt  }
0x5a: {  	_ =	shalt  }
0x5b: {  	_ =	shalt  }
0x5c: {  	_ =	shalt  }
0x5d: {  	_ =	shalt  }
0x5e: {  	_ =	shalt  }
0x5f: {  	_ =	shalt  }
0x60: {  	_ =	shalt  }
0x61: {  	_ =	shalt  }
0x62: {  	_ =	shalt  }
0x63: {  	_ =	shalt  }
0x64: {  	_ =	shalt  }
0x65: {  	_ =	shalt  }
0x66: {  	_ =	shalt  }
0x67: {  	_ =	shalt  }
0x68: {  	_ =	shalt  }
0x69: {  	_ =	shalt  }
0x6a: {  	_ =	shalt  }
0x6b: {  	_ =	shalt  }
0x6c: {  	_ =	shalt  }
0x6d: {  	_ =	shalt  }
0x6e: {  	_ =	shalt  }
0x6f: {  	_ =	shalt  }
0x70: {  	_ =	shalt  }
0x71: {  	_ =	shalt  }
0x72: {  	_ =	shalt  }
0x73: {  	_ =	shalt  }
0x74: {  	_ =	shalt  }
0x75: {  	_ =	shalt  }
0x76: {  	_ =	shalt  }
0x77: {  	_ =	shalt  }
0x78: {  	_ =	shalt  }
0x79: {  	_ =	shalt  }
0x7a: {  	_ =	shalt  }
0x7b: {  	_ =	shalt  }
0x7c: {  	_ =	shalt  }
0x7d: {  	_ =	shalt  }
0x7e: {  	_ =	shalt  }
0x7f: {  	_ =	shalt  }
0x80: {  	_ =	shalt  }
0x81: {  	_ =	shalt  }
0x82: {  	_ =	shalt  }
0x83: {  	_ =	shalt  }
0x84: {  	_ =	shalt  }
0x85: {  	_ =	shalt  }
0x86: {  	_ =	shalt  }
0x87: {  	_ =	shalt  }
.Lfunc_end0:
.L_simem_size_0:
called_computation.1_lowered:
.L_overlay_start_0:
0x88: {  	s2 =	sld [smem:$0x3FD9]  }
0x89: {  	s3 =	sld [smem:$0x3FFE];
	_ =	sdelay $0x1  }
0x8a: {  	s1 =	srdreg.scid  }
0x8b: {  	s0 =	sand.u32 $0x1, s1  }
0x8c: {  	s17 =	sshll.u32 s0, $0xA;
	s2 =	sadd.s32 s3, s2  }
0x8d: {  	s2 =	sadd.s32 s2, s17  }
0x8e: {  	[smem:$0x3FC1] =	sst s2  }
0x8f: {  	_ = 	snop  }
0x90: {  	s2 =	sld [smem:$0x3FD0];
	(tm) =	ssettm $0x1  }
0x91: {  	s18 =	sld [smem:$0x3FFB];
	_ =	sdelay $0x3  }
0x92: {  	_ =	strace s18  }
0x93: {  	s3 =	sld [smem:$0x3FFC];
	_ =	sdelay $0x3  }
0x94: {  	_ =	strace s3  }
0x95: {  	s3 =	sld [smem:$0x3FFD];
	_ =	sdelay $0x3  }
0x96: {  	_ =	strace s3  }
0x97: {  	_ =	strace $0x8FFFFFFF  }
0x98: {  	s19 =	sld [smem:$0x3FDB];
	_ =	sdelay $0x1  }
0x99: {  	s4 =	simm.s32 $_scs_section_size  }
0x9a: {  	s5 =	simm.s32 $_size__tile_overlayer_lowered;
	s6 =	simm.s32 $_tile_overlayer_lowered  }
0x9b: {  	s22 =	simm.s32 $0x1BFF;
	s21 =	sshll.u32 s6, $0x1;
	s3 =	sadd.s32 s4, s19  }
0x9c: {  	s7 =	simm.s32 $0x0;
	s20 =	sshll.u32 s5, $0x1;
	s5 =	sadd.s32 s21, s3  }
0x9d: {  	[timem:s7], [sflag:s22] =	dma.local [hbm:s5], s20  }
0x9e: {  	_ =	swait.ge [sflag:s22], s20  }
0x9f: {  	s4 =	ssub.s32 $0x0, s20;
	[sflag:s22] =	ssyncset.done $0x0  }
0xa0: {  	[sflag:s22] =	ssyncadd.s32 s4;
	_ =	sdelay $0x1  }
0xa1: {  	s23 =	simm.s32 $0x1B8B  }
0xa2: {  	_ =	swait.ge [sflag:s23], $0x1  }
0xa3: {  	[sflag:s23] =	ssyncset.done $0x0  }
0xa4: {  	s25 =	simm.s32 $0x1B8E;
	s24 =	sld [smem:$0x3FFE];
	[sflag:s23] =	ssyncadd.s32 $0xFFFFFFFF  }
0xa5: {  	s26 =	simm.s32 $execute0_lowered;
	[smem:$0x3FD2] =	sst s25  }
0xa6: {  	s5 =	sshll.u32 s26, $0x1;
	_ =	strace $0x80000049;
	[dreg:$0x1] =	wrdreg $0xFFFFFFFF  }
0xa7: {  	s28 =	simm.s32 $_size_execute0_lowered;
	s3 =	sadd.s32 s3, s5;
	[dreg:$0x0] =	wrdreg $0x0  }
0xa8: {  	s5 =	sshll.u32 s28, $0x1;
	[dreg:$0x2] =	wrdreg s3  }
0xa9: {  	[dreg:$0x3] =	wrdreg s5  }
0xaa: {  	[dreg:$0x4] =	wrdreg $0xC0  }
0xab: {  	_ =	task [dreg:s7], $0x5FFFF  }
0xac: {  	[dreg:$0x1] =	wrdreg $0xFFFFFFFF  }
0xad: {  	[dreg:$0x0] =	wrdreg $0x60  }
0xae: {  	[dreg:$0x2] =	wrdreg s24  }
0xaf: {  	[dreg:$0x3] =	wrdreg s2  }
0xb0: {  	[dreg:$0x4] =	wrdreg $0x0  }
0xb1: {  	[dreg:$0x5] =	wrdreg $0x9  }
0xb2: {  	_ =	task.clear_ibuf [dreg:s7], $0x6FFFF;
	_ =	strace $0x90000049  }
0xb3: {  	s29 =	simm.s32 $0x9;
	_ =	strace $0x8000004B  }
0xb4: {  	_ =	swait.ge [sflag:s29], $0x1  }
0xb5: {  	[sflag:s29] =	ssyncadd.s32 $0xFFFFFFFF  }
0xb6: {  	_ =	strace $0x9000004B  }
0xb7: {  	_ =	sfence  }
0xb8: {  	s30 =	sld [smem:$0x0];
	_ =	sdelay $0x2  }
0xb9: {  	s31 =	sshll.u32 s1, $0xD;
	s1 =	sshrl.u32 s1, $0x2  }
0xba: {  	s3 =	sand.u32 $0x4000, s31;
	s1 =	sadd.s32 s1, s30  }
0xbb: {  	s0 =	sor.u32 s3, s0;
	s1 =	sshll.u32 s1, $0x11  }
0xbc: {  	s0 =	sor.u32 s1, s0  }
0xbd: {  	s0 =	sadd.s32 $0x8F2B, s0  }
0xbe: {  	[sflag:s0] =	ssyncadd.remote.s32 $0x1  }
0xbf: {  	_ =	sfence.sel $0xFFFF  }
0xc0: {  	[dreg:$0x0] =	wrdreg $0xFFFFFFFF;
	(pc) =	sbr.abs _section_cstart, $3  }
0xc1: {  	[dreg:$0x1] =	wrdreg $0xFFFFFFFF  }
0xc2: {  	_ =	task.clear_ibuf [dreg:s7], $0x2FFFF;
	_ =	strace $0x9FFFFFFF  }
0xc3: {  	(tm) =	ssettm $0x7FFFFFFF  }
tec
execute0_lowered:
.L_overlay_start_1:
0x0: {  	(tag) =	ssettag $0x1  }
0x1: {  	s6 =	rddreg [dreg:$0x0]  }
0x2: {  	s7 =	rddreg [dreg:$0x1];
	s1 =	srdreg.scid  }
0x3: {  	s0 =	stileid.u32;
	s2 =	rddreg [dreg:$0x2];
	s3 =	simm.s32 $0x0  }
0x4: {  	s16 =	simm.s32 $0x14000;
	s17 =	simm.s32 $0x80;
	s9 =	smul.u32 $0x2800, s0  }
0x5: {  	s18 =	simm.s32 $0x14080;
	s19 =	simm.s32 $0x1;
	s10 =	smul.u32 $0x50, s0  }
0x6: {  	s20 =	simm.s32 $0x2;
	s21 =	simm.s32 $0x0;
	s14 =	smul.u32 $0x50000, s0  }
0x7: {  	s8 =	sand.u32 $0x1, s1;
	s1 =	rddreg [dreg:$0x3];
	s29 =	smul.u32 $0x500, s0  }
0x8: {  	[smem:$0x7FF] =	sst s3;
	s4 =	sadd.s32 $0xBA00, s6;
	s5 =	smul.u32 $0x28000, s8  }
0x9: {  	s31 =	sshll.u32 s0, $0x6;
	s11 =	smul.u32 $0x28, s8;
	s13 =	ssub.s32 $0x2, s8  }
0xa: {  	_ =	strace $0x8000004A;
	s30 =	smul.u32 $0x280, s8;
	s24 =	sshrl.u32 s13, $0x1  }
0xb: {  	s26 =	sshrl.u32 s14, $0x2;
	s14 =	sor.u32 $0x1C03, s31;
	s12 =	sadd.s32 s9, s5  }
0xc: {  	s5 =	sadd.s32 $0x1A00, s6;
	s13 =	ssub.s32 s13, s24;
	s25 =	sadd.s32 s11, s10  }
0xd: {  	s15 =	sadd.s32 s26, s2;
	s11 =	sadd.s32 s30, s29;
	s12 =	sadd.s32 s12, s6  }
0xe: {  	s28 =	sshll.u32 s25, $0x4;
	s6 =	sadd.s32 s7, s9;
	s10 =	smax.u32 s13, $0x1  }
0xf: {  	s13 =	simm.s32 $0x3;
	s15 =	sshrl.u32 s15, $0x3;
	s7 =	sadd.s32 s4, s28  }
0x10: {  	s9 =	sadd.s32 $0x87200, s12;
	s12 =	simm.s32 $0x14100;
	s8 =	sadd.s32 $0x10, s7  }
.LBB2_1:
0x11: {  	[tilespmem:s12], [sflag:$0x3] =	stream.linear.gather [hbm4b:s5+s3], $0x4000, $0x38;
	[tilespmem:$0x18100] =	vst v63  }
0x12: {  	_ =	swait.ge [sflag:s13], $0x4000  }
0x13: {  	[sflag:s13] =	ssyncset.done $0x0  }
0x14: {  	[sflag:s13] =	ssyncadd.s32 $0xFFFFC000  }
0x15: {  	[spmem:s15], [sflag:s14] =	dma.local [hbm:s6], $0x2800  }
0x16: {  	_ =	swait.ge [sflag:s13], $0x2800  }
0x17: {  	[sflag:s13] =	ssyncset.done $0x0  }
0x18: {  	[sflag:s13] =	ssyncadd.s32 $0xFFFFD800  }
0x19: {  	[bflag:$0x0] =	sbarrier.arrive $0xFFFF  }
0x1a: {  	[tilespmem:s16], [sflag:$0x3] =	stream.linear.gather [hbm4b:s7+s3], $0x80, $0x38;
	[tilespmem:$0x18100] =	vst v63  }
0x1b: {  	_ =	swait.ge [sflag:s13], $0x80  }
0x1c: {  	[sflag:s13] =	ssyncset.done $0x0  }
0x1d: {  	[sflag:s13] =	ssyncadd.s32 $0xFFFFFF80  }
0x1e: {  	[spmem:s2] =	stream.indirect.scatter.add.f32 [tilespmem:s12], [sflag:$0x1], $0x80, s16, s17, $0xb8;
	[tilespmem:$0x18100] =	vst v63  }
0x1f: {  	_ = 	snop  }
0x20: {  	[tilespmem:s18], [sflag:$0x3] =	stream.linear.gather [hbm4b:s8+s3], $0x80, $0x38;
	[tilespmem:$0x18100] =	vst v63  }
0x21: {  	_ =	swait.ge [sflag:s13], $0x80  }
0x22: {  	[sflag:s13] =	ssyncset.done $0x0  }
0x23: {  	s22 =	sadd.s32 $0x30, s11;
	s23 =	simm.s32 $0x20;
	[sflag:s13] =	ssyncadd.s32 $0xFFFFFF80  }
0x24: {  	[spmem:s2] =	stream.indirect.scatter.add.f32 [tilespmem:s12], [sflag:$0x2], $0x80, s18, s17, $0xb8;
	[tilespmem:$0x18100] =	vst v63  }
0x25: {  	s24 =	sadd.s32 $0xFFFFFFF0, s22;
	s23 =	sand.u32 $0x60, s23;
	_ =	swait.ge [sflag:s19], $0x4000  }
0x26: {  	s24 =	sand.u32 $0x1FF80, s24;
	s23 =	sadd.s32 s4, s23;
	[sflag:s19] =	ssyncset.done $0x0  }
0x27: {  	s23 =	sadd.s32 s24, s23;
	[sflag:s19] =	ssyncadd.s32 $0xFFFFC000  }
0x28: {  	[tilespmem:s16], [sflag:$0x3] =	stream.linear.gather [hbm4b:s23+s3], $0x80, $0x38;
	[tilespmem:$0x18100] =	vst v63  }
0x29: {  	_ =	swait.ge [sflag:s13], $0x80  }
0x2a: {  	[sflag:s13] =	ssyncset.done $0x0  }
0x2b: {  	s31 =	simm.s32 $0x30;
	[sflag:s13] =	ssyncadd.s32 $0xFFFFFF80  }
0x2c: {  	[spmem:s2] =	stream.indirect.scatter.add.f32 [tilespmem:s12], [sflag:$0x1], $0x80, s16, s17, $0xb8;
	[tilespmem:$0x18100] =	vst v63  }
0x2d: {  	s23 =	sand.u32 $0x70, s31;
	_ =	swait.ge [sflag:s20], $0x4000  }
0x2e: {  	s22 =	sand.u32 $0x1FF80, s22;
	s23 =	sadd.s32 s4, s23;
	[sflag:s20] =	ssyncset.done $0x0  }
0x2f: {  	s22 =	sadd.s32 s22, s23;
	[sflag:s20] =	ssyncadd.s32 $0xFFFFC000  }
0x30: {  	[tilespmem:s18], [sflag:$0x3] =	stream.linear.gather [hbm4b:s22+s3], $0x80, $0x38;
	[tilespmem:$0x18100] =	vst v63  }
0x31: {  	_ =	swait.ge [sflag:s13], $0x80  }
0x32: {  	[sflag:s13] =	ssyncset.done $0x0  }
0x33: {  	s22 =	simm.s32 $0x50;
	[sflag:s13] =	ssyncadd.s32 $0xFFFFFF80  }
.LBB2_2:
0x34: {  	[spmem:s2] =	stream.indirect.scatter.add.f32 [tilespmem:s12], [sflag:$0x2], $0x80, s18, s17, $0xb8;
	[tilespmem:$0x18100] =	vst v63  }
0x35: {  	s23 =	sadd.s32 s22, s11;
	s24 =	sadd.s32 $0xFFFFFFF0, s22;
	_ =	swait.ge [sflag:s19], $0x4000  }
0x36: {  	s25 =	sadd.s32 $0xFFFFFFF0, s23;
	s24 =	sand.u32 $0x60, s24;
	[sflag:s19] =	ssyncset.done $0x0  }
0x37: {  	s25 =	sand.u32 $0x1FF80, s25;
	s24 =	sadd.s32 s4, s24;
	[sflag:s19] =	ssyncadd.s32 $0xFFFFC000  }
0x38: {  	p0 =	sne.s32 s22, $0x270;
	s23 =	sand.u32 $0x1FF80, s23;
	s24 =	sadd.s32 s25, s24  }
0x39: {  	[tilespmem:s16], [sflag:$0x3] =	stream.linear.gather [hbm4b:s24+s3], $0x80, $0x38;
	[tilespmem:$0x18100] =	vst v63  }
0x3a: {  	s24 =	smov.u32 s22;
	s22 =	sadd.s32 $0x20, s22;
	_ =	swait.ge [sflag:s13], $0x80  }
0x3b: {  	[sflag:s13] =	ssyncset.done $0x0  }
0x3c: {  	[sflag:s13] =	ssyncadd.s32 $0xFFFFFF80  }
0x3d: {  	[spmem:s2] =	stream.indirect.scatter.add.f32 [tilespmem:s12], [sflag:$0x1], $0x80, s16, s17, $0xb8;
	[tilespmem:$0x18100] =	vst v63  }
0x3e: {  	s24 =	sand.u32 $0x70, s24;
	_ =	swait.ge [sflag:s20], $0x4000  }
0x3f: {  	s24 =	sadd.s32 s4, s24;
	[sflag:s20] =	ssyncset.done $0x0  }
.Ltmp0:
0x40: {  	s23 =	sadd.s32 s23, s24;
	[sflag:s20] =	ssyncadd.s32 $0xFFFFC000;
	(pc) =	sbr.rel @p0 .LBB2_2-.Ltmp0, $4  }
0x41: {  	[tilespmem:s18], [sflag:$0x3] =	stream.linear.gather [hbm4b:s23+s3], $0x80, $0x38;
	[tilespmem:$0x18100] =	vst v63  }
0x42: {  	_ =	swait.ge [sflag:s13], $0x80  }
0x43: {  	[sflag:s13] =	ssyncset.done $0x0  }
0x44: {  	[sflag:s13] =	ssyncadd.s32 $0xFFFFFF80  }
0x45: {  	[spmem:s2] =	stream.indirect.scatter.add.f32 [tilespmem:s12], [sflag:$0x2], $0x80, s18, s17, $0xb8;
	[tilespmem:$0x18100] =	vst v63  }
0x46: {  	_ =	swait.ge [sflag:s19], $0x4000  }
0x47: {  	[sflag:s19] =	ssyncset.done $0x0  }
0x48: {  	[sflag:s19] =	ssyncadd.s32 $0xFFFFC000  }
0x49: {  	_ =	swait.ge [sflag:s20], $0x4000  }
0x4a: {  	s21 =	sadd.s32 $0x1, s21;
	[sflag:s20] =	ssyncset.done $0x0  }
0x4b: {  	p0 =	sne.s32 s21, s10;
	[sflag:s20] =	ssyncadd.s32 $0xFFFFC000  }
.Ltmp1:
0x4c: {  	[bflag:$0x0] =	sbarrier.arrive $0xFFFF;
	(pc) =	sbr.rel @p0 .LBB2_1-.Ltmp1, $4  }
0x4d: {  	[hbm:s9], [sflag:s14] =	dma.local [spmem:s15], $0x2800  }
0x4e: {  	_ =	swait.ge [sflag:s13], $0x2800  }
0x4f: {  	[sflag:s13] =	ssyncset.done $0x0  }
0x50: {  	[sflag:s13] =	ssyncadd.s32 $0xFFFFD800  }
0x51: {  	_ =	sfence.sel $0x180000  }
0x52: {  	[bflag:$0x0] =	sbarrier.arrive $0xFFFF  }
0x53: {  	p0 =	sne.s32 s0, $0x0;
	_ =	strace $0x9000004A  }
0x54: {  	s0 =	sadd.s32 @!p0 $0x100000, s1;
	[bflag:$0x2] =	sbarrier.arrive $0xFFFF  }
0x55: {  	[sflag:s0] =	ssyncadd.tile.s32 @!p0 $0x1;
	_ =	shalt  }
.Lfunc_end2:
_tile_overlayer_lowered:
.L_overlay_start_2:
0x56: {  	(tag) =	ssettag $0x2  }
0x57: {  	s0 =	rddreg [dreg:$0x0];
	s2 =	stileid.u32  }
0x58: {  	s1 =	rddreg [dreg:$0x1];
	p0 =	sne.s32 s2, $0x0  }
0x59: {  	s3 =	rddreg [dreg:$0x2];
	[bflag:$0x3] =	sbarrier.arrive $0xFFFF;
	s2 =	simm.s32 @!p0 $0x1C03  }
0x5a: {  	[timem:s3], [sflag:s2] =	dma.local @!p0 [hbm:s0], s1  }
0x5b: {  	s0 =	simm.s32 @!p0 $0x3  }
0x5c: {  	_ =	swait.ge @!p0 [sflag:s0], s1  }
0x5d: {  	s1 =	ssub.s32 @!p0 $0x0, s1;
	[sflag:s0] =	ssyncset.done @!p0 $0x0  }
0x5e: {  	[sflag:s0] =	ssyncadd.s32 @!p0 s1  }
0x5f: {  	[bflag:$0x3] =	sbarrier.arrive $0xFFFF  }
0x60: {  	_ =	shalt  }

</sc_bundles>
